<compile_context>
chip_gen: v7x
topology: tpu7x:2x2x1
jax: 0.10.2.dev20260603
libtpu: 0.0.44.dev20260713+nightly
codegen_flags: <defaults>
</compile_context>

<pallas_src>
import functools

import jax
import jax.numpy as jnp
from jax import lax
from jax.experimental import pallas as pl
from jax.experimental.pallas import tpu as pltpu
from jax.experimental.pallas import tpu_sc as plsc

NC = 2
NS = 16
NW = NC * NS
CH = 128
WP = 8
NBUF = 4


def _sc_mesh():
    return plsc.VectorSubcoreMesh(core_axis_name="c", subcore_axis_name="s",
                                  num_cores=NC, num_subcores=NS)


def _make_deg_pass(NP, CPT):
    SL = NP // NS

    @functools.partial(
        pl.kernel,
        out_type=jax.ShapeDtypeStruct((NC * NP,), jnp.float32),
        mesh=_sc_mesh(),
        compiler_params=pltpu.CompilerParams(use_tc_tiling_on_sc=False),
        scratch_types=[
            pltpu.VMEM((CPT, CH), jnp.int32),
            pltpu.VMEM((CH,), jnp.float32),
            pltpu.VMEM((SL,), jnp.float32),
            pltpu.VMEM_SHARED((NP,), jnp.float32),
        ],
    )
    def deg_pass(dst_hbm, zero_hbm, out_hbm, dst_v, ones_v, bounce_v, deg_sh):
        cid = lax.axis_index("c")
        sid = lax.axis_index("s")
        wid = cid * NS + sid
        pltpu.sync_copy(dst_hbm.at[pl.ds(wid * CPT, CPT)], dst_v)
        for i in range(CH // 16):
            ones_v[pl.ds(i * 16, 16)] = jnp.full((16,), 1.0, jnp.float32)
        pltpu.sync_copy(zero_hbm.at[pl.ds(sid * SL, SL)], bounce_v)
        pltpu.sync_copy(bounce_v, deg_sh.at[pl.ds(sid * SL, SL)])
        plsc.subcore_barrier()

        def body(j, carry):
            pltpu.sync_copy(ones_v, deg_sh.at[dst_v.at[j]], add=True)
            return carry

        lax.fori_loop(0, CPT, body, 0)
        plsc.subcore_barrier()
        pltpu.sync_copy(deg_sh.at[pl.ds(sid * SL, SL)], bounce_v)
        pltpu.sync_copy(bounce_v, out_hbm.at[pl.ds(cid * NP + sid * SL, SL)])

    return deg_pass


def _make_edge_pass(NP, CPT):
    SL = NP // NS

    @functools.partial(
        pl.kernel,
        out_type=jax.ShapeDtypeStruct((NC * NP, WP), jnp.float32),
        mesh=_sc_mesh(),
        compiler_params=pltpu.CompilerParams(use_tc_tiling_on_sc=False),
        scratch_types=[
            pltpu.VMEM((CPT, CH), jnp.int32),
            pltpu.VMEM((CPT, CH), jnp.int32),
            pltpu.VMEM((NBUF, CH, WP), jnp.float32),
            pltpu.VMEM((SL, WP), jnp.float32),
            pltpu.SemaphoreType.DMA((NBUF,)),
            pltpu.VMEM_SHARED((NP, WP), jnp.float32),
            pltpu.VMEM_SHARED((NP, WP), jnp.float32),
        ],
    )
    def edge_pass(y_hbm, src_hbm, dst_hbm, zero_hbm, out_hbm,
                  src_v, dst_v, rows_v, bounce_v, gsem, acc_sh, y_sh):
        cid = lax.axis_index("c")
        sid = lax.axis_index("s")
        wid = cid * NS + sid
        pltpu.sync_copy(src_hbm.at[pl.ds(wid * CPT, CPT)], src_v)
        pltpu.sync_copy(dst_hbm.at[pl.ds(wid * CPT, CPT)], dst_v)
        pltpu.sync_copy(y_hbm.at[pl.ds(sid * SL, SL)], bounce_v)
        pltpu.sync_copy(bounce_v, y_sh.at[pl.ds(sid * SL, SL)])
        pltpu.sync_copy(zero_hbm.at[pl.ds(sid * SL, SL)], bounce_v)
        pltpu.sync_copy(bounce_v, acc_sh.at[pl.ds(sid * SL, SL)])
        plsc.subcore_barrier()

        for b in range(NBUF):
            pltpu.async_copy(y_sh.at[src_v.at[b]], rows_v.at[b], gsem.at[b])

        def body(i, carry):
            j0 = i * NBUF
            for b in range(NBUF):
                j = j0 + b
                pltpu.make_async_copy(y_sh.at[src_v.at[j]], rows_v.at[b],
                                      gsem.at[b]).wait()
                pltpu.sync_copy(rows_v.at[b], acc_sh.at[dst_v.at[j]], add=True)
                nj = j + NBUF

                @pl.when(nj < CPT)
                def _():
                    pltpu.async_copy(y_sh.at[src_v.at[nj]], rows_v.at[b],
                                     gsem.at[b])
            return carry

        lax.fori_loop(0, CPT // NBUF, body, 0)
        plsc.subcore_barrier()
        pltpu.sync_copy(acc_sh.at[pl.ds(sid * SL, SL)], bounce_v)
        pltpu.sync_copy(bounce_v, out_hbm.at[pl.ds(cid * NP + sid * SL, SL)])

    return edge_pass


def _tc_prep(deg0, deg1, x_pad, NP, BR):
    grid = NP // BR

    def body(d0, d1, xr, dis_o, y1_o):
        deg = d0[...] + d1[...] + 1.0
        dis = lax.rsqrt(deg)
        dis_o[...] = dis
        y1_o[...] = xr[...] * dis

    return pl.pallas_call(
        body,
        grid=(grid,),
        in_specs=[
            pl.BlockSpec((BR, 1), lambda i: (i, 0)),
            pl.BlockSpec((BR, 1), lambda i: (i, 0)),
            pl.BlockSpec((BR, WP), lambda i: (i, 0)),
        ],
        out_specs=[
            pl.BlockSpec((BR, 1), lambda i: (i, 0)),
            pl.BlockSpec((BR, WP), lambda i: (i, 0)),
        ],
        out_shape=[
            jax.ShapeDtypeStruct((NP, 1), jnp.float32),
            jax.ShapeDtypeStruct((NP, WP), jnp.float32),
        ],
    )(deg0, deg1, x_pad)


def _tc_dense(a0, a1, y1, dis, W1p, b1, W2p, NP, BR):
    grid = NP // BR

    def body(a0r, a1r, y1r, disr, W1r, b1r, W2r, y2_o):
        agg = (a0r[...] + a1r[...] + y1r[...]) * disr[...]
        h = jnp.dot(agg, W1r[...], preferred_element_type=jnp.float32)
        h = jnp.maximum(h + b1r[...], 0.0)
        p = jnp.dot(h, W2r[...], preferred_element_type=jnp.float32)
        y2_o[...] = p * disr[...]

    return pl.pallas_call(
        body,
        grid=(grid,),
        in_specs=[
            pl.BlockSpec((BR, WP), lambda i: (i, 0)),
            pl.BlockSpec((BR, WP), lambda i: (i, 0)),
            pl.BlockSpec((BR, WP), lambda i: (i, 0)),
            pl.BlockSpec((BR, 1), lambda i: (i, 0)),
            pl.BlockSpec((WP, 128), lambda i: (0, 0)),
            pl.BlockSpec((1, 128), lambda i: (0, 0)),
            pl.BlockSpec((128, WP), lambda i: (0, 0)),
        ],
        out_specs=pl.BlockSpec((BR, WP), lambda i: (i, 0)),
        out_shape=jax.ShapeDtypeStruct((NP, WP), jnp.float32),
    )(a0, a1, y1, dis, W1p, b1, W2p)


def _tc_final(a0, a1, y2, dis, b2, NP, BR, D_OUT):
    grid = NP // BR

    def body(a0r, a1r, y2r, disr, b2r, out_o):
        a16 = (a0r[...] + a1r[...] + y2r[...]) * disr[...]
        a = a16[:, :D_OUT] + b2r[...]
        m = jnp.max(a, axis=1, keepdims=True)
        lse = m + jnp.log(jnp.sum(jnp.exp(a - m), axis=1, keepdims=True))
        out_o[...] = a - lse

    return pl.pallas_call(
        body,
        grid=(grid,),
        in_specs=[
            pl.BlockSpec((BR, WP), lambda i: (i, 0)),
            pl.BlockSpec((BR, WP), lambda i: (i, 0)),
            pl.BlockSpec((BR, WP), lambda i: (i, 0)),
            pl.BlockSpec((BR, 1), lambda i: (i, 0)),
            pl.BlockSpec((1, D_OUT), lambda i: (0, 0)),
        ],
        out_specs=pl.BlockSpec((BR, D_OUT), lambda i: (i, 0)),
        out_shape=jax.ShapeDtypeStruct((NP, D_OUT), jnp.float32),
    )(a0, a1, y2, dis, b2)


def kernel(x, edge_index, W1, b1, W2, b2):
    N = x.shape[0]
    E = edge_index.shape[1]
    D_IN = x.shape[1]
    D_H = W1.shape[1]
    D_OUT = W2.shape[1]
    BR = 3584

    NP = ((N + 1 + 511) // 512) * 512

    CPT = -(-E // (NW * CH))
    CPT = -(-CPT // 8) * 8
    E_pad = NW * CPT * CH
    pad = E_pad - E
    src = jnp.concatenate([edge_index[0], jnp.full((pad,), N, jnp.int32)])
    dst = jnp.concatenate([edge_index[1], jnp.full((pad,), N, jnp.int32)])
    src2d = src.reshape(E_pad // CH, CH)
    dst2d = dst.reshape(E_pad // CH, CH)

    x_pad = jnp.pad(x, ((0, NP - N), (0, WP - D_IN)))
    W1p = jnp.pad(W1, ((0, WP - D_IN), (0, 0)))
    W2p = jnp.pad(W2, ((0, 0), (0, WP - D_OUT)))
    z1 = jnp.zeros((NP,), jnp.float32)
    zw = jnp.zeros((NP, WP), jnp.float32)

    deg_part = _make_deg_pass(NP, CPT)(dst2d, z1)
    dis, y1 = _tc_prep(deg_part[:NP, None], deg_part[NP:, None], x_pad,
                       NP, BR)
    edge_pass = _make_edge_pass(NP, CPT)
    acc1 = edge_pass(y1, src2d, dst2d, zw)
    y2 = _tc_dense(acc1[:NP], acc1[NP:], y1, dis, W1p, b1[None, :], W2p,
                   NP, BR)
    acc2 = edge_pass(y2, src2d, dst2d, zw)
    out = _tc_final(acc2[:NP], acc2[NP:], y2, dis, b2[None, :], NP, BR, D_OUT)
    return out[:N]

# --- scband reference (transcript-rebuilt; emitter-appended) ---
"""Pipeline reference for scband-net-21397527069336 (READ-ONLY COPY).

The authoritative reference and input builder live on the scoring server;
editing this copy changes nothing except your own understanding.
"""

import jax, jax.numpy as jnp
import numpy as np

N = 50000
E = 800000
D_IN = 4
D_H = 128
D_OUT = 2


def setup_inputs(seed: int = 0) -> dict:
    key = jax.random.key(seed)
    ks = jax.random.split(key, 6)
    x = jax.random.normal(ks[0], (N, D_IN), dtype=jnp.float32)
    edge_index = jax.random.randint(ks[1], (2, E), 0, N, dtype=jnp.int32)
    W1 = jax.random.normal(ks[2], (D_IN, D_H), dtype=jnp.float32) * (1.0 / np.sqrt(D_IN))
    b1 = jnp.zeros((D_H,), dtype=jnp.float32)
    W2 = jax.random.normal(ks[3], (D_H, D_OUT), dtype=jnp.float32) * (1.0 / np.sqrt(D_H))
    b2 = jnp.zeros((D_OUT,), dtype=jnp.float32)
    return {"x": x, "edge_index": edge_index, "W1": W1, "b1": b1, "W2": W2, "b2": b2}


def _gcn_conv(x, edge_index, W, b):
    # GCNConv: out = D^{-1/2} (A + I) D^{-1/2} X W + b (add_self_loops=True, normalize=True)
    n = x.shape[0]
    loop = jnp.arange(n, dtype=edge_index.dtype)
    src = jnp.concatenate([edge_index[0], loop])
    dst = jnp.concatenate([edge_index[1], loop])
    deg = jnp.zeros((n,), dtype=jnp.float32).at[dst].add(1.0)
    deg_inv_sqrt = jnp.where(deg > 0, 1.0 / jnp.sqrt(deg), 0.0)
    norm = deg_inv_sqrt[src] * deg_inv_sqrt[dst]
    h = x @ W
    msgs = h[src] * norm[:, None]
    out = jnp.zeros((n, W.shape[1]), dtype=jnp.float32).at[dst].add(msgs)
    return out + b


def reference(x, edge_index, W1, b1, W2, b2):
    h = _gcn_conv(x, edge_index, W1, b1)
    h = jax.nn.relu(h)
    # F.dropout(training=self.training): identity in eval mode
    h = _gcn_conv(h, edge_index, W2, b2)
    return jax.nn.log_softmax(h, axis=1)

if __name__ == "__main__":
    import jax
    _d = setup_inputs()
    print(jax.jit(kernel)(*tuple(_d.values())))

</pallas_src>

<mosaic_0001>
#map = affine_map<(d0, d1) -> (0, 0)>
module attributes {stable_mosaic.version = 14 : i64} {
  func.func @edge_pass(%arg0: i32, %arg1: i32, %arg2: memref<50176x8xf32, #tpu.memory_space<hbm>>, %arg3: memref<6400x128xi32, #tpu.memory_space<hbm>>, %arg4: memref<6400x128xi32, #tpu.memory_space<hbm>>, %arg5: memref<50176x8xf32, #tpu.memory_space<hbm>>, %arg6: memref<100352x8xf32, #tpu.memory_space<hbm>>, %arg7: memref<200x128xi32, #tpu.memory_space<vmem>>, %arg8: memref<200x128xi32, #tpu.memory_space<vmem>>, %arg9: memref<4x128x8xf32, #tpu.memory_space<vmem>>, %arg10: memref<3136x8xf32, #tpu.memory_space<vmem>>, %arg11: memref<4x!tpu.dma_semaphore, #tpu.memory_space<semaphore_mem>>, %arg12: memref<50176x8xf32, #tpu.memory_space<vmem_shared>>, %arg13: memref<50176x8xf32, #tpu.memory_space<vmem_shared>>) attributes {dimension_semantics = [#tpu.dimension_semantics<core_parallel>, #tpu.dimension_semantics<subcore_parallel>], iteration_bounds = array<i64: 2, 16>, scalar_prefetch = 0 : i64, scratch_operands = 7 : i64, tpu.core_type = #tpu.core_type<sc_vector_subcore>, window_params = [{transform_indices = #map}, {transform_indices = #map}, {transform_indices = #map}, {transform_indices = #map}, {transform_indices = #map}]} {
    %mul3A = arith.constant 16 : i32
    %mul3A_0 = arith.muli %arg0, %mul3A : i32
    %add3A = arith.addi %mul3A_0, %arg1 : i32
    %mul3A_1 = arith.constant 200 : i32
    %mul3A_2 = arith.muli %add3A, %mul3A_1 : i32
    "tpu.region"() ({
      %run_scoped3A = tpu.sem_alloc : memref<!tpu.dma_semaphore, #tpu.memory_space<semaphore_mem>>
      %dma_start3A_85 = arith.constant 0 : i32
      %dma_start3A_86 = tpu.memref_slice %arg3[%mul3A_2, %dma_start3A_85] : memref<6400x128xi32, #tpu.memory_space<hbm>> -> memref<200x128xi32, #tpu.memory_space<hbm>>
      %dma_start3A_87 = arith.constant 0 : i32
      %dma_start3A_88 = tpu.memref_slice %arg3[%mul3A_2, %dma_start3A_87] : memref<6400x128xi32, #tpu.memory_space<hbm>> -> memref<200x128xi32, #tpu.memory_space<hbm>>
      tpu.enqueue_dma source(%dma_start3A_88 : memref<200x128xi32, #tpu.memory_space<hbm>>) target(%arg7 : memref<200x128xi32, #tpu.memory_space<vmem>>) target_semaphore(%run_scoped3A : memref<!tpu.dma_semaphore, #tpu.memory_space<semaphore_mem>>)
      %dma_wait3A = arith.constant 0 : i32
      %dma_wait3A_89 = tpu.memref_slice %arg3[%mul3A_2, %dma_wait3A] : memref<6400x128xi32, #tpu.memory_space<hbm>> -> memref<200x128xi32, #tpu.memory_space<hbm>>
      %dma_wait3A_90 = arith.constant 0 : i32
      %dma_wait3A_91 = tpu.memref_slice %arg3[%mul3A_2, %dma_wait3A_90] : memref<6400x128xi32, #tpu.memory_space<hbm>> -> memref<200x128xi32, #tpu.memory_space<hbm>>
      tpu.wait_dma2 semaphore(%run_scoped3A : memref<!tpu.dma_semaphore, #tpu.memory_space<semaphore_mem>>) src(%dma_wait3A_91 : memref<200x128xi32, #tpu.memory_space<hbm>>) dst(%arg7 : memref<200x128xi32, #tpu.memory_space<vmem>>)
      tpu.yield
    }) : () -> ()
    %mul3A_3 = arith.constant 200 : i32
    %mul3A_4 = arith.muli %add3A, %mul3A_3 : i32
    "tpu.region"() ({
      %run_scoped3A = tpu.sem_alloc : memref<!tpu.dma_semaphore, #tpu.memory_space<semaphore_mem>>
      %dma_start3A_85 = arith.constant 0 : i32
      %dma_start3A_86 = tpu.memref_slice %arg4[%mul3A_4, %dma_start3A_85] : memref<6400x128xi32, #tpu.memory_space<hbm>> -> memref<200x128xi32, #tpu.memory_space<hbm>>
      %dma_start3A_87 = arith.constant 0 : i32
      %dma_start3A_88 = tpu.memref_slice %arg4[%mul3A_4, %dma_start3A_87] : memref<6400x128xi32, #tpu.memory_space<hbm>> -> memref<200x128xi32, #tpu.memory_space<hbm>>
      tpu.enqueue_dma source(%dma_start3A_88 : memref<200x128xi32, #tpu.memory_space<hbm>>) target(%arg8 : memref<200x128xi32, #tpu.memory_space<vmem>>) target_semaphore(%run_scoped3A : memref<!tpu.dma_semaphore, #tpu.memory_space<semaphore_mem>>)
      %dma_wait3A = arith.constant 0 : i32
      %dma_wait3A_89 = tpu.memref_slice %arg4[%mul3A_4, %dma_wait3A] : memref<6400x128xi32, #tpu.memory_space<hbm>> -> memref<200x128xi32, #tpu.memory_space<hbm>>
      %dma_wait3A_90 = arith.constant 0 : i32
      %dma_wait3A_91 = tpu.memref_slice %arg4[%mul3A_4, %dma_wait3A_90] : memref<6400x128xi32, #tpu.memory_space<hbm>> -> memref<200x128xi32, #tpu.memory_space<hbm>>
      tpu.wait_dma2 semaphore(%run_scoped3A : memref<!tpu.dma_semaphore, #tpu.memory_space<semaphore_mem>>) src(%dma_wait3A_91 : memref<200x128xi32, #tpu.memory_space<hbm>>) dst(%arg8 : memref<200x128xi32, #tpu.memory_space<vmem>>)
      tpu.yield
    }) : () -> ()
    %mul3A_5 = arith.constant 3136 : i32
    %mul3A_6 = arith.muli %arg1, %mul3A_5 : i32
    "tpu.region"() ({
      %run_scoped3A = tpu.sem_alloc : memref<!tpu.dma_semaphore, #tpu.memory_space<semaphore_mem>>
      %dma_start3A_85 = arith.constant 0 : i32
      %dma_start3A_86 = tpu.memref_slice %arg2[%mul3A_6, %dma_start3A_85] : memref<50176x8xf32, #tpu.memory_space<hbm>> -> memref<3136x8xf32, #tpu.memory_space<hbm>>
      %dma_start3A_87 = arith.constant 0 : i32
      %dma_start3A_88 = tpu.memref_slice %arg2[%mul3A_6, %dma_start3A_87] : memref<50176x8xf32, #tpu.memory_space<hbm>> -> memref<3136x8xf32, #tpu.memory_space<hbm>>
      tpu.enqueue_dma source(%dma_start3A_88 : memref<3136x8xf32, #tpu.memory_space<hbm>>) target(%arg10 : memref<3136x8xf32, #tpu.memory_space<vmem>>) target_semaphore(%run_scoped3A : memref<!tpu.dma_semaphore, #tpu.memory_space<semaphore_mem>>)
      %dma_wait3A = arith.constant 0 : i32
      %dma_wait3A_89 = tpu.memref_slice %arg2[%mul3A_6, %dma_wait3A] : memref<50176x8xf32, #tpu.memory_space<hbm>> -> memref<3136x8xf32, #tpu.memory_space<hbm>>
      %dma_wait3A_90 = arith.constant 0 : i32
      %dma_wait3A_91 = tpu.memref_slice %arg2[%mul3A_6, %dma_wait3A_90] : memref<50176x8xf32, #tpu.memory_space<hbm>> -> memref<3136x8xf32, #tpu.memory_space<hbm>>
      tpu.wait_dma2 semaphore(%run_scoped3A : memref<!tpu.dma_semaphore, #tpu.memory_space<semaphore_mem>>) src(%dma_wait3A_91 : memref<3136x8xf32, #tpu.memory_space<hbm>>) dst(%arg10 : memref<3136x8xf32, #tpu.memory_space<vmem>>)
      tpu.yield
    }) : () -> ()
    %mul3A_7 = arith.constant 3136 : i32
    %mul3A_8 = arith.muli %arg1, %mul3A_7 : i32
    "tpu.region"() ({
      %run_scoped3A = tpu.sem_alloc : memref<!tpu.dma_semaphore, #tpu.memory_space<semaphore_mem>>
      %dma_start3A_85 = arith.constant 0 : i32
      %dma_start3A_86 = tpu.memref_slice %arg13[%mul3A_8, %dma_start3A_85] : memref<50176x8xf32, #tpu.memory_space<vmem_shared>> -> memref<3136x8xf32, #tpu.memory_space<vmem_shared>>
      %dma_start3A_87 = arith.constant 0 : i32
      %dma_start3A_88 = tpu.memref_slice %arg13[%mul3A_8, %dma_start3A_87] : memref<50176x8xf32, #tpu.memory_space<vmem_shared>> -> memref<3136x8xf32, #tpu.memory_space<vmem_shared>>
      tpu.enqueue_dma source(%arg10 : memref<3136x8xf32, #tpu.memory_space<vmem>>) target(%dma_start3A_88 : memref<3136x8xf32, #tpu.memory_space<vmem_shared>>) target_semaphore(%run_scoped3A : memref<!tpu.dma_semaphore, #tpu.memory_space<semaphore_mem>>)
      %dma_wait3A = arith.constant 0 : i32
      %dma_wait3A_89 = tpu.memref_slice %arg13[%mul3A_8, %dma_wait3A] : memref<50176x8xf32, #tpu.memory_space<vmem_shared>> -> memref<3136x8xf32, #tpu.memory_space<vmem_shared>>
      %dma_wait3A_90 = arith.constant 0 : i32
      %dma_wait3A_91 = tpu.memref_slice %arg13[%mul3A_8, %dma_wait3A_90] : memref<50176x8xf32, #tpu.memory_space<vmem_shared>> -> memref<3136x8xf32, #tpu.memory_space<vmem_shared>>
      tpu.wait_dma2 semaphore(%run_scoped3A : memref<!tpu.dma_semaphore, #tpu.memory_space<semaphore_mem>>) src(%arg10 : memref<3136x8xf32, #tpu.memory_space<vmem>>) dst(%dma_wait3A_91 : memref<3136x8xf32, #tpu.memory_space<vmem_shared>>)
      tpu.yield
    }) : () -> ()
    %mul3A_9 = arith.constant 3136 : i32
    %mul3A_10 = arith.muli %arg1, %mul3A_9 : i32
    "tpu.region"() ({
      %run_scoped3A = tpu.sem_alloc : memref<!tpu.dma_semaphore, #tpu.memory_space<semaphore_mem>>
      %dma_start3A_85 = arith.constant 0 : i32
      %dma_start3A_86 = tpu.memref_slice %arg5[%mul3A_10, %dma_start3A_85] : memref<50176x8xf32, #tpu.memory_space<hbm>> -> memref<3136x8xf32, #tpu.memory_space<hbm>>
      %dma_start3A_87 = arith.constant 0 : i32
      %dma_start3A_88 = tpu.memref_slice %arg5[%mul3A_10, %dma_start3A_87] : memref<50176x8xf32, #tpu.memory_space<hbm>> -> memref<3136x8xf32, #tpu.memory_space<hbm>>
      tpu.enqueue_dma source(%dma_start3A_88 : memref<3136x8xf32, #tpu.memory_space<hbm>>) target(%arg10 : memref<3136x8xf32, #tpu.memory_space<vmem>>) target_semaphore(%run_scoped3A : memref<!tpu.dma_semaphore, #tpu.memory_space<semaphore_mem>>)
      %dma_wait3A = arith.constant 0 : i32
      %dma_wait3A_89 = tpu.memref_slice %arg5[%mul3A_10, %dma_wait3A] : memref<50176x8xf32, #tpu.memory_space<hbm>> -> memref<3136x8xf32, #tpu.memory_space<hbm>>
      %dma_wait3A_90 = arith.constant 0 : i32
      %dma_wait3A_91 = tpu.memref_slice %arg5[%mul3A_10, %dma_wait3A_90] : memref<50176x8xf32, #tpu.memory_space<hbm>> -> memref<3136x8xf32, #tpu.memory_space<hbm>>
      tpu.wait_dma2 semaphore(%run_scoped3A : memref<!tpu.dma_semaphore, #tpu.memory_space<semaphore_mem>>) src(%dma_wait3A_91 : memref<3136x8xf32, #tpu.memory_space<hbm>>) dst(%arg10 : memref<3136x8xf32, #tpu.memory_space<vmem>>)
      tpu.yield
    }) : () -> ()
    %mul3A_11 = arith.constant 3136 : i32
    %mul3A_12 = arith.muli %arg1, %mul3A_11 : i32
    "tpu.region"() ({
      %run_scoped3A = tpu.sem_alloc : memref<!tpu.dma_semaphore, #tpu.memory_space<semaphore_mem>>
      %dma_start3A_85 = arith.constant 0 : i32
      %dma_start3A_86 = tpu.memref_slice %arg12[%mul3A_12, %dma_start3A_85] : memref<50176x8xf32, #tpu.memory_space<vmem_shared>> -> memref<3136x8xf32, #tpu.memory_space<vmem_shared>>
      %dma_start3A_87 = arith.constant 0 : i32
      %dma_start3A_88 = tpu.memref_slice %arg12[%mul3A_12, %dma_start3A_87] : memref<50176x8xf32, #tpu.memory_space<vmem_shared>> -> memref<3136x8xf32, #tpu.memory_space<vmem_shared>>
      tpu.enqueue_dma source(%arg10 : memref<3136x8xf32, #tpu.memory_space<vmem>>) target(%dma_start3A_88 : memref<3136x8xf32, #tpu.memory_space<vmem_shared>>) target_semaphore(%run_scoped3A : memref<!tpu.dma_semaphore, #tpu.memory_space<semaphore_mem>>)
      %dma_wait3A = arith.constant 0 : i32
      %dma_wait3A_89 = tpu.memref_slice %arg12[%mul3A_12, %dma_wait3A] : memref<50176x8xf32, #tpu.memory_space<vmem_shared>> -> memref<3136x8xf32, #tpu.memory_space<vmem_shared>>
      %dma_wait3A_90 = arith.constant 0 : i32
      %dma_wait3A_91 = tpu.memref_slice %arg12[%mul3A_12, %dma_wait3A_90] : memref<50176x8xf32, #tpu.memory_space<vmem_shared>> -> memref<3136x8xf32, #tpu.memory_space<vmem_shared>>
      tpu.wait_dma2 semaphore(%run_scoped3A : memref<!tpu.dma_semaphore, #tpu.memory_space<semaphore_mem>>) src(%arg10 : memref<3136x8xf32, #tpu.memory_space<vmem>>) dst(%dma_wait3A_91 : memref<3136x8xf32, #tpu.memory_space<vmem_shared>>)
      tpu.yield
    }) : () -> ()
    %barrier3A = arith.constant 0 : index
    tpu.barrier barrier_id(%barrier3A)
    %dma_start3A = arith.constant 0 : i32
    %dma_start3A_13 = arith.constant 0 : i32
    %dma_start3A_14 = arith.constant 0 : i32
    %dma_start3A_15 = arith.constant 0 : i32
    %dma_start3A_16 = arith.constant 0 : i32
    %dma_start3A_17 = tpu.memref_slice %arg9[%dma_start3A_13, %dma_start3A_15, %dma_start3A_16] : memref<4x128x8xf32, #tpu.memory_space<vmem>> -> memref<1x128x8xf32, #tpu.memory_space<vmem>>
    %dma_start3A_18 = tpu.memref_squeeze %dma_start3A_17 : memref<1x128x8xf32, #tpu.memory_space<vmem>> -> memref<128x8xf32, #tpu.memory_space<vmem>>
    %dma_start3A_19 = arith.constant 0 : i32
    %dma_start3A_20 = tpu.memref_slice %arg7[%dma_start3A, %dma_start3A_19] : memref<200x128xi32, #tpu.memory_space<vmem>> -> memref<1x128xi32, #tpu.memory_space<vmem>>
    %dma_start3A_21 = tpu.memref_squeeze %dma_start3A_20 : memref<1x128xi32, #tpu.memory_space<vmem>> -> memref<128xi32, #tpu.memory_space<vmem>>
    %dma_start3A_22 = arith.constant 0 : i32
    %dma_start3A_23 = arith.constant 0 : i32
    %dma_start3A_24 = tpu.memref_slice %arg13[%dma_start3A_22, %dma_start3A_23] : memref<50176x8xf32, #tpu.memory_space<vmem_shared>> -> memref<50176x8xf32, #tpu.memory_space<vmem_shared>>
    %dma_start3A_25 = tpu.memref_slice %arg11[%dma_start3A_14] : memref<4x!tpu.dma_semaphore, #tpu.memory_space<semaphore_mem>> -> memref<1x!tpu.dma_semaphore, #tpu.memory_space<semaphore_mem>>
    %dma_start3A_26 = tpu.memref_squeeze %dma_start3A_25 : memref<1x!tpu.dma_semaphore, #tpu.memory_space<semaphore_mem>> -> memref<!tpu.dma_semaphore, #tpu.memory_space<semaphore_mem>>
    tpu.enqueue_indirect_dma source(%dma_start3A_24 : memref<50176x8xf32, #tpu.memory_space<vmem_shared>>) target(%dma_start3A_18 : memref<128x8xf32, #tpu.memory_space<vmem>>) offsets(%dma_start3A_21 : memref<128xi32, #tpu.memory_space<vmem>>) semaphore(%dma_start3A_26 : memref<!tpu.dma_semaphore, #tpu.memory_space<semaphore_mem>>)
    %dma_start3A_27 = arith.constant 1 : i32
    %dma_start3A_28 = arith.constant 1 : i32
    %dma_start3A_29 = arith.constant 1 : i32
    %dma_start3A_30 = arith.constant 0 : i32
    %dma_start3A_31 = arith.constant 0 : i32
    %dma_start3A_32 = tpu.memref_slice %arg9[%dma_start3A_28, %dma_start3A_30, %dma_start3A_31] : memref<4x128x8xf32, #tpu.memory_space<vmem>> -> memref<1x128x8xf32, #tpu.memory_space<vmem>>
    %dma_start3A_33 = tpu.memref_squeeze %dma_start3A_32 : memref<1x128x8xf32, #tpu.memory_space<vmem>> -> memref<128x8xf32, #tpu.memory_space<vmem>>
    %dma_start3A_34 = arith.constant 0 : i32
    %dma_start3A_35 = tpu.memref_slice %arg7[%dma_start3A_27, %dma_start3A_34] : memref<200x128xi32, #tpu.memory_space<vmem>> -> memref<1x128xi32, #tpu.memory_space<vmem>>
    %dma_start3A_36 = tpu.memref_squeeze %dma_start3A_35 : memref<1x128xi32, #tpu.memory_space<vmem>> -> memref<128xi32, #tpu.memory_space<vmem>>
    %dma_start3A_37 = arith.constant 0 : i32
    %dma_start3A_38 = arith.constant 0 : i32
    %dma_start3A_39 = tpu.memref_slice %arg13[%dma_start3A_37, %dma_start3A_38] : memref<50176x8xf32, #tpu.memory_space<vmem_shared>> -> memref<50176x8xf32, #tpu.memory_space<vmem_shared>>
    %dma_start3A_40 = tpu.memref_slice %arg11[%dma_start3A_29] : memref<4x!tpu.dma_semaphore, #tpu.memory_space<semaphore_mem>> -> memref<1x!tpu.dma_semaphore, #tpu.memory_space<semaphore_mem>>
    %dma_start3A_41 = tpu.memref_squeeze %dma_start3A_40 : memref<1x!tpu.dma_semaphore, #tpu.memory_space<semaphore_mem>> -> memref<!tpu.dma_semaphore, #tpu.memory_space<semaphore_mem>>
    tpu.enqueue_indirect_dma source(%dma_start3A_39 : memref<50176x8xf32, #tpu.memory_space<vmem_shared>>) target(%dma_start3A_33 : memref<128x8xf32, #tpu.memory_space<vmem>>) offsets(%dma_start3A_36 : memref<128xi32, #tpu.memory_space<vmem>>) semaphore(%dma_start3A_41 : memref<!tpu.dma_semaphore, #tpu.memory_space<semaphore_mem>>)
    %dma_start3A_42 = arith.constant 2 : i32
    %dma_start3A_43 = arith.constant 2 : i32
    %dma_start3A_44 = arith.constant 2 : i32
    %dma_start3A_45 = arith.constant 0 : i32
    %dma_start3A_46 = arith.constant 0 : i32
    %dma_start3A_47 = tpu.memref_slice %arg9[%dma_start3A_43, %dma_start3A_45, %dma_start3A_46] : memref<4x128x8xf32, #tpu.memory_space<vmem>> -> memref<1x128x8xf32, #tpu.memory_space<vmem>>
    %dma_start3A_48 = tpu.memref_squeeze %dma_start3A_47 : memref<1x128x8xf32, #tpu.memory_space<vmem>> -> memref<128x8xf32, #tpu.memory_space<vmem>>
    %dma_start3A_49 = arith.constant 0 : i32
    %dma_start3A_50 = tpu.memref_slice %arg7[%dma_start3A_42, %dma_start3A_49] : memref<200x128xi32, #tpu.memory_space<vmem>> -> memref<1x128xi32, #tpu.memory_space<vmem>>
    %dma_start3A_51 = tpu.memref_squeeze %dma_start3A_50 : memref<1x128xi32, #tpu.memory_space<vmem>> -> memref<128xi32, #tpu.memory_space<vmem>>
    %dma_start3A_52 = arith.constant 0 : i32
    %dma_start3A_53 = arith.constant 0 : i32
    %dma_start3A_54 = tpu.memref_slice %arg13[%dma_start3A_52, %dma_start3A_53] : memref<50176x8xf32, #tpu.memory_space<vmem_shared>> -> memref<50176x8xf32, #tpu.memory_space<vmem_shared>>
    %dma_start3A_55 = tpu.memref_slice %arg11[%dma_start3A_44] : memref<4x!tpu.dma_semaphore, #tpu.memory_space<semaphore_mem>> -> memref<1x!tpu.dma_semaphore, #tpu.memory_space<semaphore_mem>>
    %dma_start3A_56 = tpu.memref_squeeze %dma_start3A_55 : memref<1x!tpu.dma_semaphore, #tpu.memory_space<semaphore_mem>> -> memref<!tpu.dma_semaphore, #tpu.memory_space<semaphore_mem>>
    tpu.enqueue_indirect_dma source(%dma_start3A_54 : memref<50176x8xf32, #tpu.memory_space<vmem_shared>>) target(%dma_start3A_48 : memref<128x8xf32, #tpu.memory_space<vmem>>) offsets(%dma_start3A_51 : memref<128xi32, #tpu.memory_space<vmem>>) semaphore(%dma_start3A_56 : memref<!tpu.dma_semaphore, #tpu.memory_space<semaphore_mem>>)
    %dma_start3A_57 = arith.constant 3 : i32
    %dma_start3A_58 = arith.constant 3 : i32
    %dma_start3A_59 = arith.constant 3 : i32
    %dma_start3A_60 = arith.constant 0 : i32
    %dma_start3A_61 = arith.constant 0 : i32
    %dma_start3A_62 = tpu.memref_slice %arg9[%dma_start3A_58, %dma_start3A_60, %dma_start3A_61] : memref<4x128x8xf32, #tpu.memory_space<vmem>> -> memref<1x128x8xf32, #tpu.memory_space<vmem>>
    %dma_start3A_63 = tpu.memref_squeeze %dma_start3A_62 : memref<1x128x8xf32, #tpu.memory_space<vmem>> -> memref<128x8xf32, #tpu.memory_space<vmem>>
    %dma_start3A_64 = arith.constant 0 : i32
    %dma_start3A_65 = tpu.memref_slice %arg7[%dma_start3A_57, %dma_start3A_64] : memref<200x128xi32, #tpu.memory_space<vmem>> -> memref<1x128xi32, #tpu.memory_space<vmem>>
    %dma_start3A_66 = tpu.memref_squeeze %dma_start3A_65 : memref<1x128xi32, #tpu.memory_space<vmem>> -> memref<128xi32, #tpu.memory_space<vmem>>
    %dma_start3A_67 = arith.constant 0 : i32
    %dma_start3A_68 = arith.constant 0 : i32
    %dma_start3A_69 = tpu.memref_slice %arg13[%dma_start3A_67, %dma_start3A_68] : memref<50176x8xf32, #tpu.memory_space<vmem_shared>> -> memref<50176x8xf32, #tpu.memory_space<vmem_shared>>
    %dma_start3A_70 = tpu.memref_slice %arg11[%dma_start3A_59] : memref<4x!tpu.dma_semaphore, #tpu.memory_space<semaphore_mem>> -> memref<1x!tpu.dma_semaphore, #tpu.memory_space<semaphore_mem>>
    %dma_start3A_71 = tpu.memref_squeeze %dma_start3A_70 : memref<1x!tpu.dma_semaphore, #tpu.memory_space<semaphore_mem>> -> memref<!tpu.dma_semaphore, #tpu.memory_space<semaphore_mem>>
    tpu.enqueue_indirect_dma source(%dma_start3A_69 : memref<50176x8xf32, #tpu.memory_space<vmem_shared>>) target(%dma_start3A_63 : memref<128x8xf32, #tpu.memory_space<vmem>>) offsets(%dma_start3A_66 : memref<128xi32, #tpu.memory_space<vmem>>) semaphore(%dma_start3A_71 : memref<!tpu.dma_semaphore, #tpu.memory_space<semaphore_mem>>)
    %scan3A = arith.constant 0 : i32
    %scan3A_72 = arith.constant 0 : i32
    %scan3A_73 = arith.constant 50 : i32
    %scan3A_74 = arith.addi %scan3A_72, %scan3A_73 : i32
    %scan3A_75 = arith.constant 1 : i32
    scf.for %scan3A_85 = %scan3A_72 to %scan3A_74 step %scan3A_75  : i32 {
      %mul3A_86 = arith.constant 4 : i32
      %mul3A_87 = arith.muli %scan3A_85, %mul3A_86 : i32
      %add3A_88 = arith.constant 0 : i32
      %add3A_89 = arith.addi %mul3A_87, %add3A_88 : i32
      %dma_wait3A = arith.constant 0 : i32
      %dma_wait3A_90 = arith.constant 0 : i32
      %dma_wait3A_91 = arith.constant 0 : i32
      %dma_wait3A_92 = arith.constant 0 : i32
      %dma_wait3A_93 = tpu.memref_slice %arg9[%dma_wait3A, %dma_wait3A_91, %dma_wait3A_92] : memref<4x128x8xf32, #tpu.memory_space<vmem>> -> memref<1x128x8xf32, #tpu.memory_space<vmem>>
      %dma_wait3A_94 = tpu.memref_squeeze %dma_wait3A_93 : memref<1x128x8xf32, #tpu.memory_space<vmem>> -> memref<128x8xf32, #tpu.memory_space<vmem>>
      %dma_wait3A_95 = arith.constant 0 : i32
      %dma_wait3A_96 = tpu.memref_slice %arg7[%add3A_89, %dma_wait3A_95] : memref<200x128xi32, #tpu.memory_space<vmem>> -> memref<1x128xi32, #tpu.memory_space<vmem>>
      %dma_wait3A_97 = tpu.memref_squeeze %dma_wait3A_96 : memref<1x128xi32, #tpu.memory_space<vmem>> -> memref<128xi32, #tpu.memory_space<vmem>>
      %dma_wait3A_98 = arith.constant 0 : i32
      %dma_wait3A_99 = arith.constant 0 : i32
      %dma_wait3A_100 = tpu.memref_slice %arg13[%dma_wait3A_98, %dma_wait3A_99] : memref<50176x8xf32, #tpu.memory_space<vmem_shared>> -> memref<50176x8xf32, #tpu.memory_space<vmem_shared>>
      %dma_wait3A_101 = tpu.memref_slice %arg11[%dma_wait3A_90] : memref<4x!tpu.dma_semaphore, #tpu.memory_space<semaphore_mem>> -> memref<1x!tpu.dma_semaphore, #tpu.memory_space<semaphore_mem>>
      %dma_wait3A_102 = tpu.memref_squeeze %dma_wait3A_101 : memref<1x!tpu.dma_semaphore, #tpu.memory_space<semaphore_mem>> -> memref<!tpu.dma_semaphore, #tpu.memory_space<semaphore_mem>>
      tpu.wait_indirect_dma semaphore(%dma_wait3A_102 : memref<!tpu.dma_semaphore, #tpu.memory_space<semaphore_mem>>) src(%dma_wait3A_100 : memref<50176x8xf32, #tpu.memory_space<vmem_shared>>) dst(%dma_wait3A_94 : memref<128x8xf32, #tpu.memory_space<vmem>>)
      %run_scoped3A = arith.constant 0 : i32
      "tpu.region"() ({
        %run_scoped3A_179 = tpu.sem_alloc : memref<!tpu.dma_semaphore, #tpu.memory_space<semaphore_mem>>
        %dma_start3A_180 = arith.constant 0 : i32
        %dma_start3A_181 = arith.constant 0 : i32
        %dma_start3A_182 = tpu.memref_slice %arg9[%run_scoped3A, %dma_start3A_180, %dma_start3A_181] : memref<4x128x8xf32, #tpu.memory_space<vmem>> -> memref<1x128x8xf32, #tpu.memory_space<vmem>>
        %dma_start3A_183 = tpu.memref_squeeze %dma_start3A_182 : memref<1x128x8xf32, #tpu.memory_space<vmem>> -> memref<128x8xf32, #tpu.memory_space<vmem>>
        %dma_start3A_184 = arith.constant 0 : i32
        %dma_start3A_185 = tpu.memref_slice %arg8[%add3A_89, %dma_start3A_184] : memref<200x128xi32, #tpu.memory_space<vmem>> -> memref<1x128xi32, #tpu.memory_space<vmem>>
        %dma_start3A_186 = tpu.memref_squeeze %dma_start3A_185 : memref<1x128xi32, #tpu.memory_space<vmem>> -> memref<128xi32, #tpu.memory_space<vmem>>
        %dma_start3A_187 = arith.constant 0 : i32
        %dma_start3A_188 = arith.constant 0 : i32
        %dma_start3A_189 = tpu.memref_slice %arg12[%dma_start3A_187, %dma_start3A_188] : memref<50176x8xf32, #tpu.memory_space<vmem_shared>> -> memref<50176x8xf32, #tpu.memory_space<vmem_shared>>
        tpu.enqueue_indirect_dma source(%dma_start3A_183 : memref<128x8xf32, #tpu.memory_space<vmem>>) target(%dma_start3A_189 : memref<50176x8xf32, #tpu.memory_space<vmem_shared>>) offsets(%dma_start3A_186 : memref<128xi32, #tpu.memory_space<vmem>>) semaphore(%run_scoped3A_179 : memref<!tpu.dma_semaphore, #tpu.memory_space<semaphore_mem>>) {add = true}
        %dma_wait3A_190 = arith.constant 0 : i32
        %dma_wait3A_191 = arith.constant 0 : i32
        %dma_wait3A_192 = tpu.memref_slice %arg9[%run_scoped3A, %dma_wait3A_190, %dma_wait3A_191] : memref<4x128x8xf32, #tpu.memory_space<vmem>> -> memref<1x128x8xf32, #tpu.memory_space<vmem>>
        %dma_wait3A_193 = tpu.memref_squeeze %dma_wait3A_192 : memref<1x128x8xf32, #tpu.memory_space<vmem>> -> memref<128x8xf32, #tpu.memory_space<vmem>>
        %dma_wait3A_194 = arith.constant 0 : i32
        %dma_wait3A_195 = tpu.memref_slice %arg8[%add3A_89, %dma_wait3A_194] : memref<200x128xi32, #tpu.memory_space<vmem>> -> memref<1x128xi32, #tpu.memory_space<vmem>>
        %dma_wait3A_196 = tpu.memref_squeeze %dma_wait3A_195 : memref<1x128xi32, #tpu.memory_space<vmem>> -> memref<128xi32, #tpu.memory_space<vmem>>
        %dma_wait3A_197 = arith.constant 0 : i32
        %dma_wait3A_198 = arith.constant 0 : i32
        %dma_wait3A_199 = tpu.memref_slice %arg12[%dma_wait3A_197, %dma_wait3A_198] : memref<50176x8xf32, #tpu.memory_space<vmem_shared>> -> memref<50176x8xf32, #tpu.memory_space<vmem_shared>>
        tpu.wait_indirect_dma semaphore(%run_scoped3A_179 : memref<!tpu.dma_semaphore, #tpu.memory_space<semaphore_mem>>) src(%dma_wait3A_193 : memref<128x8xf32, #tpu.memory_space<vmem>>) dst(%dma_wait3A_199 : memref<50176x8xf32, #tpu.memory_space<vmem_shared>>)
        tpu.yield
      }) : () -> ()
      %add3A_103 = arith.constant 4 : i32
      %add3A_104 = arith.addi %add3A_89, %add3A_103 : i32
      %lt3A = arith.constant 200 : i32
      %lt3A_105 = arith.cmpi slt, %add3A_104, %lt3A : i32
      %convert_element_type3A = arith.extui %lt3A_105 : i1 to i32
      %cond3A = arith.constant 0 : i32
      %cond3A_106 = arith.cmpi ne, %convert_element_type3A, %cond3A : i32
      scf.if %cond3A_106 {
        %dma_start3A_179 = arith.constant 0 : i32
        %dma_start3A_180 = arith.constant 0 : i32
        %dma_start3A_181 = arith.constant 0 : i32
        %dma_start3A_182 = arith.constant 0 : i32
        %dma_start3A_183 = tpu.memref_slice %arg9[%dma_start3A_179, %dma_start3A_181, %dma_start3A_182] : memref<4x128x8xf32, #tpu.memory_space<vmem>> -> memref<1x128x8xf32, #tpu.memory_space<vmem>>
        %dma_start3A_184 = tpu.memref_squeeze %dma_start3A_183 : memref<1x128x8xf32, #tpu.memory_space<vmem>> -> memref<128x8xf32, #tpu.memory_space<vmem>>
        %dma_start3A_185 = arith.constant 0 : i32
        %dma_start3A_186 = tpu.memref_slice %arg7[%add3A_104, %dma_start3A_185] : memref<200x128xi32, #tpu.memory_space<vmem>> -> memref<1x128xi32, #tpu.memory_space<vmem>>
        %dma_start3A_187 = tpu.memref_squeeze %dma_start3A_186 : memref<1x128xi32, #tpu.memory_space<vmem>> -> memref<128xi32, #tpu.memory_space<vmem>>
        %dma_start3A_188 = arith.constant 0 : i32
        %dma_start3A_189 = arith.constant 0 : i32
        %dma_start3A_190 = tpu.memref_slice %arg13[%dma_start3A_188, %dma_start3A_189] : memref<50176x8xf32, #tpu.memory_space<vmem_shared>> -> memref<50176x8xf32, #tpu.memory_space<vmem_shared>>
        %dma_start3A_191 = tpu.memref_slice %arg11[%dma_start3A_180] : memref<4x!tpu.dma_semaphore, #tpu.memory_space<semaphore_mem>> -> memref<1x!tpu.dma_semaphore, #tpu.memory_space<semaphore_mem>>
        %dma_start3A_192 = tpu.memref_squeeze %dma_start3A_191 : memref<1x!tpu.dma_semaphore, #tpu.memory_space<semaphore_mem>> -> memref<!tpu.dma_semaphore, #tpu.memory_space<semaphore_mem>>
        tpu.enqueue_indirect_dma source(%dma_start3A_190 : memref<50176x8xf32, #tpu.memory_space<vmem_shared>>) target(%dma_start3A_184 : memref<128x8xf32, #tpu.memory_space<vmem>>) offsets(%dma_start3A_187 : memref<128xi32, #tpu.memory_space<vmem>>) semaphore(%dma_start3A_192 : memref<!tpu.dma_semaphore, #tpu.memory_space<semaphore_mem>>)
      } else {
      }
      %add3A_107 = arith.constant 1 : i32
      %add3A_108 = arith.addi %mul3A_87, %add3A_107 : i32
      %dma_wait3A_109 = arith.constant 1 : i32
      %dma_wait3A_110 = arith.constant 1 : i32
      %dma_wait3A_111 = arith.constant 0 : i32
      %dma_wait3A_112 = arith.constant 0 : i32
      %dma_wait3A_113 = tpu.memref_slice %arg9[%dma_wait3A_109, %dma_wait3A_111, %dma_wait3A_112] : memref<4x128x8xf32, #tpu.memory_space<vmem>> -> memref<1x128x8xf32, #tpu.memory_space<vmem>>
      %dma_wait3A_114 = tpu.memref_squeeze %dma_wait3A_113 : memref<1x128x8xf32, #tpu.memory_space<vmem>> -> memref<128x8xf32, #tpu.memory_space<vmem>>
      %dma_wait3A_115 = arith.constant 0 : i32
      %dma_wait3A_116 = tpu.memref_slice %arg7[%add3A_108, %dma_wait3A_115] : memref<200x128xi32, #tpu.memory_space<vmem>> -> memref<1x128xi32, #tpu.memory_space<vmem>>
      %dma_wait3A_117 = tpu.memref_squeeze %dma_wait3A_116 : memref<1x128xi32, #tpu.memory_space<vmem>> -> memref<128xi32, #tpu.memory_space<vmem>>
      %dma_wait3A_118 = arith.constant 0 : i32
      %dma_wait3A_119 = arith.constant 0 : i32
      %dma_wait3A_120 = tpu.memref_slice %arg13[%dma_wait3A_118, %dma_wait3A_119] : memref<50176x8xf32, #tpu.memory_space<vmem_shared>> -> memref<50176x8xf32, #tpu.memory_space<vmem_shared>>
      %dma_wait3A_121 = tpu.memref_slice %arg11[%dma_wait3A_110] : memref<4x!tpu.dma_semaphore, #tpu.memory_space<semaphore_mem>> -> memref<1x!tpu.dma_semaphore, #tpu.memory_space<semaphore_mem>>
      %dma_wait3A_122 = tpu.memref_squeeze %dma_wait3A_121 : memref<1x!tpu.dma_semaphore, #tpu.memory_space<semaphore_mem>> -> memref<!tpu.dma_semaphore, #tpu.memory_space<semaphore_mem>>
      tpu.wait_indirect_dma semaphore(%dma_wait3A_122 : memref<!tpu.dma_semaphore, #tpu.memory_space<semaphore_mem>>) src(%dma_wait3A_120 : memref<50176x8xf32, #tpu.memory_space<vmem_shared>>) dst(%dma_wait3A_114 : memref<128x8xf32, #tpu.memory_space<vmem>>)
      %run_scoped3A_123 = arith.constant 1 : i32
      "tpu.region"() ({
        %run_scoped3A_179 = tpu.sem_alloc : memref<!tpu.dma_semaphore, #tpu.memory_space<semaphore_mem>>
        %dma_start3A_180 = arith.constant 0 : i32
        %dma_start3A_181 = arith.constant 0 : i32
        %dma_start3A_182 = tpu.memref_slice %arg9[%run_scoped3A_123, %dma_start3A_180, %dma_start3A_181] : memref<4x128x8xf32, #tpu.memory_space<vmem>> -> memref<1x128x8xf32, #tpu.memory_space<vmem>>
        %dma_start3A_183 = tpu.memref_squeeze %dma_start3A_182 : memref<1x128x8xf32, #tpu.memory_space<vmem>> -> memref<128x8xf32, #tpu.memory_space<vmem>>
        %dma_start3A_184 = arith.constant 0 : i32
        %dma_start3A_185 = tpu.memref_slice %arg8[%add3A_108, %dma_start3A_184] : memref<200x128xi32, #tpu.memory_space<vmem>> -> memref<1x128xi32, #tpu.memory_space<vmem>>
        %dma_start3A_186 = tpu.memref_squeeze %dma_start3A_185 : memref<1x128xi32, #tpu.memory_space<vmem>> -> memref<128xi32, #tpu.memory_space<vmem>>
        %dma_start3A_187 = arith.constant 0 : i32
        %dma_start3A_188 = arith.constant 0 : i32
        %dma_start3A_189 = tpu.memref_slice %arg12[%dma_start3A_187, %dma_start3A_188] : memref<50176x8xf32, #tpu.memory_space<vmem_shared>> -> memref<50176x8xf32, #tpu.memory_space<vmem_shared>>
        tpu.enqueue_indirect_dma source(%dma_start3A_183 : memref<128x8xf32, #tpu.memory_space<vmem>>) target(%dma_start3A_189 : memref<50176x8xf32, #tpu.memory_space<vmem_shared>>) offsets(%dma_start3A_186 : memref<128xi32, #tpu.memory_space<vmem>>) semaphore(%run_scoped3A_179 : memref<!tpu.dma_semaphore, #tpu.memory_space<semaphore_mem>>) {add = true}
        %dma_wait3A_190 = arith.constant 0 : i32
        %dma_wait3A_191 = arith.constant 0 : i32
        %dma_wait3A_192 = tpu.memref_slice %arg9[%run_scoped3A_123, %dma_wait3A_190, %dma_wait3A_191] : memref<4x128x8xf32, #tpu.memory_space<vmem>> -> memref<1x128x8xf32, #tpu.memory_space<vmem>>
        %dma_wait3A_193 = tpu.memref_squeeze %dma_wait3A_192 : memref<1x128x8xf32, #tpu.memory_space<vmem>> -> memref<128x8xf32, #tpu.memory_space<vmem>>
        %dma_wait3A_194 = arith.constant 0 : i32
        %dma_wait3A_195 = tpu.memref_slice %arg8[%add3A_108, %dma_wait3A_194] : memref<200x128xi32, #tpu.memory_space<vmem>> -> memref<1x128xi32, #tpu.memory_space<vmem>>
        %dma_wait3A_196 = tpu.memref_squeeze %dma_wait3A_195 : memref<1x128xi32, #tpu.memory_space<vmem>> -> memref<128xi32, #tpu.memory_space<vmem>>
        %dma_wait3A_197 = arith.constant 0 : i32
        %dma_wait3A_198 = arith.constant 0 : i32
        %dma_wait3A_199 = tpu.memref_slice %arg12[%dma_wait3A_197, %dma_wait3A_198] : memref<50176x8xf32, #tpu.memory_space<vmem_shared>> -> memref<50176x8xf32, #tpu.memory_space<vmem_shared>>
        tpu.wait_indirect_dma semaphore(%run_scoped3A_179 : memref<!tpu.dma_semaphore, #tpu.memory_space<semaphore_mem>>) src(%dma_wait3A_193 : memref<128x8xf32, #tpu.memory_space<vmem>>) dst(%dma_wait3A_199 : memref<50176x8xf32, #tpu.memory_space<vmem_shared>>)
        tpu.yield
      }) : () -> ()
      %add3A_124 = arith.constant 4 : i32
      %add3A_125 = arith.addi %add3A_108, %add3A_124 : i32
      %lt3A_126 = arith.constant 200 : i32
      %lt3A_127 = arith.cmpi slt, %add3A_125, %lt3A_126 : i32
      %convert_element_type3A_128 = arith.extui %lt3A_127 : i1 to i32
      %cond3A_129 = arith.constant 0 : i32
      %cond3A_130 = arith.cmpi ne, %convert_element_type3A_128, %cond3A_129 : i32
      scf.if %cond3A_130 {
        %dma_start3A_179 = arith.constant 1 : i32
        %dma_start3A_180 = arith.constant 1 : i32
        %dma_start3A_181 = arith.constant 0 : i32
        %dma_start3A_182 = arith.constant 0 : i32
        %dma_start3A_183 = tpu.memref_slice %arg9[%dma_start3A_179, %dma_start3A_181, %dma_start3A_182] : memref<4x128x8xf32, #tpu.memory_space<vmem>> -> memref<1x128x8xf32, #tpu.memory_space<vmem>>
        %dma_start3A_184 = tpu.memref_squeeze %dma_start3A_183 : memref<1x128x8xf32, #tpu.memory_space<vmem>> -> memref<128x8xf32, #tpu.memory_space<vmem>>
        %dma_start3A_185 = arith.constant 0 : i32
        %dma_start3A_186 = tpu.memref_slice %arg7[%add3A_125, %dma_start3A_185] : memref<200x128xi32, #tpu.memory_space<vmem>> -> memref<1x128xi32, #tpu.memory_space<vmem>>
        %dma_start3A_187 = tpu.memref_squeeze %dma_start3A_186 : memref<1x128xi32, #tpu.memory_space<vmem>> -> memref<128xi32, #tpu.memory_space<vmem>>
        %dma_start3A_188 = arith.constant 0 : i32
        %dma_start3A_189 = arith.constant 0 : i32
        %dma_start3A_190 = tpu.memref_slice %arg13[%dma_start3A_188, %dma_start3A_189] : memref<50176x8xf32, #tpu.memory_space<vmem_shared>> -> memref<50176x8xf32, #tpu.memory_space<vmem_shared>>
        %dma_start3A_191 = tpu.memref_slice %arg11[%dma_start3A_180] : memref<4x!tpu.dma_semaphore, #tpu.memory_space<semaphore_mem>> -> memref<1x!tpu.dma_semaphore, #tpu.memory_space<semaphore_mem>>
        %dma_start3A_192 = tpu.memref_squeeze %dma_start3A_191 : memref<1x!tpu.dma_semaphore, #tpu.memory_space<semaphore_mem>> -> memref<!tpu.dma_semaphore, #tpu.memory_space<semaphore_mem>>
        tpu.enqueue_indirect_dma source(%dma_start3A_190 : memref<50176x8xf32, #tpu.memory_space<vmem_shared>>) target(%dma_start3A_184 : memref<128x8xf32, #tpu.memory_space<vmem>>) offsets(%dma_start3A_187 : memref<128xi32, #tpu.memory_space<vmem>>) semaphore(%dma_start3A_192 : memref<!tpu.dma_semaphore, #tpu.memory_space<semaphore_mem>>)
      } else {
      }
      %add3A_131 = arith.constant 2 : i32
      %add3A_132 = arith.addi %mul3A_87, %add3A_131 : i32
      %dma_wait3A_133 = arith.constant 2 : i32
      %dma_wait3A_134 = arith.constant 2 : i32
      %dma_wait3A_135 = arith.constant 0 : i32
      %dma_wait3A_136 = arith.constant 0 : i32
      %dma_wait3A_137 = tpu.memref_slice %arg9[%dma_wait3A_133, %dma_wait3A_135, %dma_wait3A_136] : memref<4x128x8xf32, #tpu.memory_space<vmem>> -> memref<1x128x8xf32, #tpu.memory_space<vmem>>
      %dma_wait3A_138 = tpu.memref_squeeze %dma_wait3A_137 : memref<1x128x8xf32, #tpu.memory_space<vmem>> -> memref<128x8xf32, #tpu.memory_space<vmem>>
      %dma_wait3A_139 = arith.constant 0 : i32
      %dma_wait3A_140 = tpu.memref_slice %arg7[%add3A_132, %dma_wait3A_139] : memref<200x128xi32, #tpu.memory_space<vmem>> -> memref<1x128xi32, #tpu.memory_space<vmem>>
      %dma_wait3A_141 = tpu.memref_squeeze %dma_wait3A_140 : memref<1x128xi32, #tpu.memory_space<vmem>> -> memref<128xi32, #tpu.memory_space<vmem>>
      %dma_wait3A_142 = arith.constant 0 : i32
      %dma_wait3A_143 = arith.constant 0 : i32
      %dma_wait3A_144 = tpu.memref_slice %arg13[%dma_wait3A_142, %dma_wait3A_143] : memref<50176x8xf32, #tpu.memory_space<vmem_shared>> -> memref<50176x8xf32, #tpu.memory_space<vmem_shared>>
      %dma_wait3A_145 = tpu.memref_slice %arg11[%dma_wait3A_134] : memref<4x!tpu.dma_semaphore, #tpu.memory_space<semaphore_mem>> -> memref<1x!tpu.dma_semaphore, #tpu.memory_space<semaphore_mem>>
      %dma_wait3A_146 = tpu.memref_squeeze %dma_wait3A_145 : memref<1x!tpu.dma_semaphore, #tpu.memory_space<semaphore_mem>> -> memref<!tpu.dma_semaphore, #tpu.memory_space<semaphore_mem>>
      tpu.wait_indirect_dma semaphore(%dma_wait3A_146 : memref<!tpu.dma_semaphore, #tpu.memory_space<semaphore_mem>>) src(%dma_wait3A_144 : memref<50176x8xf32, #tpu.memory_space<vmem_shared>>) dst(%dma_wait3A_138 : memref<128x8xf32, #tpu.memory_space<vmem>>)
      %run_scoped3A_147 = arith.constant 2 : i32
      "tpu.region"() ({
        %run_scoped3A_179 = tpu.sem_alloc : memref<!tpu.dma_semaphore, #tpu.memory_space<semaphore_mem>>
        %dma_start3A_180 = arith.constant 0 : i32
        %dma_start3A_181 = arith.constant 0 : i32
        %dma_start3A_182 = tpu.memref_slice %arg9[%run_scoped3A_147, %dma_start3A_180, %dma_start3A_181] : memref<4x128x8xf32, #tpu.memory_space<vmem>> -> memref<1x128x8xf32, #tpu.memory_space<vmem>>
        %dma_start3A_183 = tpu.memref_squeeze %dma_start3A_182 : memref<1x128x8xf32, #tpu.memory_space<vmem>> -> memref<128x8xf32, #tpu.memory_space<vmem>>
        %dma_start3A_184 = arith.constant 0 : i32
        %dma_start3A_185 = tpu.memref_slice %arg8[%add3A_132, %dma_start3A_184] : memref<200x128xi32, #tpu.memory_space<vmem>> -> memref<1x128xi32, #tpu.memory_space<vmem>>
        %dma_start3A_186 = tpu.memref_squeeze %dma_start3A_185 : memref<1x128xi32, #tpu.memory_space<vmem>> -> memref<128xi32, #tpu.memory_space<vmem>>
        %dma_start3A_187 = arith.constant 0 : i32
        %dma_start3A_188 = arith.constant 0 : i32
        %dma_start3A_189 = tpu.memref_slice %arg12[%dma_start3A_187, %dma_start3A_188] : memref<50176x8xf32, #tpu.memory_space<vmem_shared>> -> memref<50176x8xf32, #tpu.memory_space<vmem_shared>>
        tpu.enqueue_indirect_dma source(%dma_start3A_183 : memref<128x8xf32, #tpu.memory_space<vmem>>) target(%dma_start3A_189 : memref<50176x8xf32, #tpu.memory_space<vmem_shared>>) offsets(%dma_start3A_186 : memref<128xi32, #tpu.memory_space<vmem>>) semaphore(%run_scoped3A_179 : memref<!tpu.dma_semaphore, #tpu.memory_space<semaphore_mem>>) {add = true}
        %dma_wait3A_190 = arith.constant 0 : i32
        %dma_wait3A_191 = arith.constant 0 : i32
        %dma_wait3A_192 = tpu.memref_slice %arg9[%run_scoped3A_147, %dma_wait3A_190, %dma_wait3A_191] : memref<4x128x8xf32, #tpu.memory_space<vmem>> -> memref<1x128x8xf32, #tpu.memory_space<vmem>>
        %dma_wait3A_193 = tpu.memref_squeeze %dma_wait3A_192 : memref<1x128x8xf32, #tpu.memory_space<vmem>> -> memref<128x8xf32, #tpu.memory_space<vmem>>
        %dma_wait3A_194 = arith.constant 0 : i32
        %dma_wait3A_195 = tpu.memref_slice %arg8[%add3A_132, %dma_wait3A_194] : memref<200x128xi32, #tpu.memory_space<vmem>> -> memref<1x128xi32, #tpu.memory_space<vmem>>
        %dma_wait3A_196 = tpu.memref_squeeze %dma_wait3A_195 : memref<1x128xi32, #tpu.memory_space<vmem>> -> memref<128xi32, #tpu.memory_space<vmem>>
        %dma_wait3A_197 = arith.constant 0 : i32
        %dma_wait3A_198 = arith.constant 0 : i32
        %dma_wait3A_199 = tpu.memref_slice %arg12[%dma_wait3A_197, %dma_wait3A_198] : memref<50176x8xf32, #tpu.memory_space<vmem_shared>> -> memref<50176x8xf32, #tpu.memory_space<vmem_shared>>
        tpu.wait_indirect_dma semaphore(%run_scoped3A_179 : memref<!tpu.dma_semaphore, #tpu.memory_space<semaphore_mem>>) src(%dma_wait3A_193 : memref<128x8xf32, #tpu.memory_space<vmem>>) dst(%dma_wait3A_199 : memref<50176x8xf32, #tpu.memory_space<vmem_shared>>)
        tpu.yield
      }) : () -> ()
      %add3A_148 = arith.constant 4 : i32
      %add3A_149 = arith.addi %add3A_132, %add3A_148 : i32
      %lt3A_150 = arith.constant 200 : i32
      %lt3A_151 = arith.cmpi slt, %add3A_149, %lt3A_150 : i32
      %convert_element_type3A_152 = arith.extui %lt3A_151 : i1 to i32
      %cond3A_153 = arith.constant 0 : i32
      %cond3A_154 = arith.cmpi ne, %convert_element_type3A_152, %cond3A_153 : i32
      scf.if %cond3A_154 {
        %dma_start3A_179 = arith.constant 2 : i32
        %dma_start3A_180 = arith.constant 2 : i32
        %dma_start3A_181 = arith.constant 0 : i32
        %dma_start3A_182 = arith.constant 0 : i32
        %dma_start3A_183 = tpu.memref_slice %arg9[%dma_start3A_179, %dma_start3A_181, %dma_start3A_182] : memref<4x128x8xf32, #tpu.memory_space<vmem>> -> memref<1x128x8xf32, #tpu.memory_space<vmem>>
        %dma_start3A_184 = tpu.memref_squeeze %dma_start3A_183 : memref<1x128x8xf32, #tpu.memory_space<vmem>> -> memref<128x8xf32, #tpu.memory_space<vmem>>
        %dma_start3A_185 = arith.constant 0 : i32
        %dma_start3A_186 = tpu.memref_slice %arg7[%add3A_149, %dma_start3A_185] : memref<200x128xi32, #tpu.memory_space<vmem>> -> memref<1x128xi32, #tpu.memory_space<vmem>>
        %dma_start3A_187 = tpu.memref_squeeze %dma_start3A_186 : memref<1x128xi32, #tpu.memory_space<vmem>> -> memref<128xi32, #tpu.memory_space<vmem>>
        %dma_start3A_188 = arith.constant 0 : i32
        %dma_start3A_189 = arith.constant 0 : i32
        %dma_start3A_190 = tpu.memref_slice %arg13[%dma_start3A_188, %dma_start3A_189] : memref<50176x8xf32, #tpu.memory_space<vmem_shared>> -> memref<50176x8xf32, #tpu.memory_space<vmem_shared>>
        %dma_start3A_191 = tpu.memref_slice %arg11[%dma_start3A_180] : memref<4x!tpu.dma_semaphore, #tpu.memory_space<semaphore_mem>> -> memref<1x!tpu.dma_semaphore, #tpu.memory_space<semaphore_mem>>
        %dma_start3A_192 = tpu.memref_squeeze %dma_start3A_191 : memref<1x!tpu.dma_semaphore, #tpu.memory_space<semaphore_mem>> -> memref<!tpu.dma_semaphore, #tpu.memory_space<semaphore_mem>>
        tpu.enqueue_indirect_dma source(%dma_start3A_190 : memref<50176x8xf32, #tpu.memory_space<vmem_shared>>) target(%dma_start3A_184 : memref<128x8xf32, #tpu.memory_space<vmem>>) offsets(%dma_start3A_187 : memref<128xi32, #tpu.memory_space<vmem>>) semaphore(%dma_start3A_192 : memref<!tpu.dma_semaphore, #tpu.memory_space<semaphore_mem>>)
      } else {
      }
      %add3A_155 = arith.constant 3 : i32
      %add3A_156 = arith.addi %mul3A_87, %add3A_155 : i32
      %dma_wait3A_157 = arith.constant 3 : i32
      %dma_wait3A_158 = arith.constant 3 : i32
      %dma_wait3A_159 = arith.constant 0 : i32
      %dma_wait3A_160 = arith.constant 0 : i32
      %dma_wait3A_161 = tpu.memref_slice %arg9[%dma_wait3A_157, %dma_wait3A_159, %dma_wait3A_160] : memref<4x128x8xf32, #tpu.memory_space<vmem>> -> memref<1x128x8xf32, #tpu.memory_space<vmem>>
      %dma_wait3A_162 = tpu.memref_squeeze %dma_wait3A_161 : memref<1x128x8xf32, #tpu.memory_space<vmem>> -> memref<128x8xf32, #tpu.memory_space<vmem>>
      %dma_wait3A_163 = arith.constant 0 : i32
      %dma_wait3A_164 = tpu.memref_slice %arg7[%add3A_156, %dma_wait3A_163] : memref<200x128xi32, #tpu.memory_space<vmem>> -> memref<1x128xi32, #tpu.memory_space<vmem>>
      %dma_wait3A_165 = tpu.memref_squeeze %dma_wait3A_164 : memref<1x128xi32, #tpu.memory_space<vmem>> -> memref<128xi32, #tpu.memory_space<vmem>>
      %dma_wait3A_166 = arith.constant 0 : i32
      %dma_wait3A_167 = arith.constant 0 : i32
      %dma_wait3A_168 = tpu.memref_slice %arg13[%dma_wait3A_166, %dma_wait3A_167] : memref<50176x8xf32, #tpu.memory_space<vmem_shared>> -> memref<50176x8xf32, #tpu.memory_space<vmem_shared>>
      %dma_wait3A_169 = tpu.memref_slice %arg11[%dma_wait3A_158] : memref<4x!tpu.dma_semaphore, #tpu.memory_space<semaphore_mem>> -> memref<1x!tpu.dma_semaphore, #tpu.memory_space<semaphore_mem>>
      %dma_wait3A_170 = tpu.memref_squeeze %dma_wait3A_169 : memref<1x!tpu.dma_semaphore, #tpu.memory_space<semaphore_mem>> -> memref<!tpu.dma_semaphore, #tpu.memory_space<semaphore_mem>>
      tpu.wait_indirect_dma semaphore(%dma_wait3A_170 : memref<!tpu.dma_semaphore, #tpu.memory_space<semaphore_mem>>) src(%dma_wait3A_168 : memref<50176x8xf32, #tpu.memory_space<vmem_shared>>) dst(%dma_wait3A_162 : memref<128x8xf32, #tpu.memory_space<vmem>>)
      %run_scoped3A_171 = arith.constant 3 : i32
      "tpu.region"() ({
        %run_scoped3A_179 = tpu.sem_alloc : memref<!tpu.dma_semaphore, #tpu.memory_space<semaphore_mem>>
        %dma_start3A_180 = arith.constant 0 : i32
        %dma_start3A_181 = arith.constant 0 : i32
        %dma_start3A_182 = tpu.memref_slice %arg9[%run_scoped3A_171, %dma_start3A_180, %dma_start3A_181] : memref<4x128x8xf32, #tpu.memory_space<vmem>> -> memref<1x128x8xf32, #tpu.memory_space<vmem>>
        %dma_start3A_183 = tpu.memref_squeeze %dma_start3A_182 : memref<1x128x8xf32, #tpu.memory_space<vmem>> -> memref<128x8xf32, #tpu.memory_space<vmem>>
        %dma_start3A_184 = arith.constant 0 : i32
        %dma_start3A_185 = tpu.memref_slice %arg8[%add3A_156, %dma_start3A_184] : memref<200x128xi32, #tpu.memory_space<vmem>> -> memref<1x128xi32, #tpu.memory_space<vmem>>
        %dma_start3A_186 = tpu.memref_squeeze %dma_start3A_185 : memref<1x128xi32, #tpu.memory_space<vmem>> -> memref<128xi32, #tpu.memory_space<vmem>>
        %dma_start3A_187 = arith.constant 0 : i32
        %dma_start3A_188 = arith.constant 0 : i32
        %dma_start3A_189 = tpu.memref_slice %arg12[%dma_start3A_187, %dma_start3A_188] : memref<50176x8xf32, #tpu.memory_space<vmem_shared>> -> memref<50176x8xf32, #tpu.memory_space<vmem_shared>>
        tpu.enqueue_indirect_dma source(%dma_start3A_183 : memref<128x8xf32, #tpu.memory_space<vmem>>) target(%dma_start3A_189 : memref<50176x8xf32, #tpu.memory_space<vmem_shared>>) offsets(%dma_start3A_186 : memref<128xi32, #tpu.memory_space<vmem>>) semaphore(%run_scoped3A_179 : memref<!tpu.dma_semaphore, #tpu.memory_space<semaphore_mem>>) {add = true}
        %dma_wait3A_190 = arith.constant 0 : i32
        %dma_wait3A_191 = arith.constant 0 : i32
        %dma_wait3A_192 = tpu.memref_slice %arg9[%run_scoped3A_171, %dma_wait3A_190, %dma_wait3A_191] : memref<4x128x8xf32, #tpu.memory_space<vmem>> -> memref<1x128x8xf32, #tpu.memory_space<vmem>>
        %dma_wait3A_193 = tpu.memref_squeeze %dma_wait3A_192 : memref<1x128x8xf32, #tpu.memory_space<vmem>> -> memref<128x8xf32, #tpu.memory_space<vmem>>
        %dma_wait3A_194 = arith.constant 0 : i32
        %dma_wait3A_195 = tpu.memref_slice %arg8[%add3A_156, %dma_wait3A_194] : memref<200x128xi32, #tpu.memory_space<vmem>> -> memref<1x128xi32, #tpu.memory_space<vmem>>
        %dma_wait3A_196 = tpu.memref_squeeze %dma_wait3A_195 : memref<1x128xi32, #tpu.memory_space<vmem>> -> memref<128xi32, #tpu.memory_space<vmem>>
        %dma_wait3A_197 = arith.constant 0 : i32
        %dma_wait3A_198 = arith.constant 0 : i32
        %dma_wait3A_199 = tpu.memref_slice %arg12[%dma_wait3A_197, %dma_wait3A_198] : memref<50176x8xf32, #tpu.memory_space<vmem_shared>> -> memref<50176x8xf32, #tpu.memory_space<vmem_shared>>
        tpu.wait_indirect_dma semaphore(%run_scoped3A_179 : memref<!tpu.dma_semaphore, #tpu.memory_space<semaphore_mem>>) src(%dma_wait3A_193 : memref<128x8xf32, #tpu.memory_space<vmem>>) dst(%dma_wait3A_199 : memref<50176x8xf32, #tpu.memory_space<vmem_shared>>)
        tpu.yield
      }) : () -> ()
      %add3A_172 = arith.constant 4 : i32
      %add3A_173 = arith.addi %add3A_156, %add3A_172 : i32
      %lt3A_174 = arith.constant 200 : i32
      %lt3A_175 = arith.cmpi slt, %add3A_173, %lt3A_174 : i32
      %convert_element_type3A_176 = arith.extui %lt3A_175 : i1 to i32
      %cond3A_177 = arith.constant 0 : i32
      %cond3A_178 = arith.cmpi ne, %convert_element_type3A_176, %cond3A_177 : i32
      scf.if %cond3A_178 {
        %dma_start3A_179 = arith.constant 3 : i32
        %dma_start3A_180 = arith.constant 3 : i32
        %dma_start3A_181 = arith.constant 0 : i32
        %dma_start3A_182 = arith.constant 0 : i32
        %dma_start3A_183 = tpu.memref_slice %arg9[%dma_start3A_179, %dma_start3A_181, %dma_start3A_182] : memref<4x128x8xf32, #tpu.memory_space<vmem>> -> memref<1x128x8xf32, #tpu.memory_space<vmem>>
        %dma_start3A_184 = tpu.memref_squeeze %dma_start3A_183 : memref<1x128x8xf32, #tpu.memory_space<vmem>> -> memref<128x8xf32, #tpu.memory_space<vmem>>
        %dma_start3A_185 = arith.constant 0 : i32
        %dma_start3A_186 = tpu.memref_slice %arg7[%add3A_173, %dma_start3A_185] : memref<200x128xi32, #tpu.memory_space<vmem>> -> memref<1x128xi32, #tpu.memory_space<vmem>>
        %dma_start3A_187 = tpu.memref_squeeze %dma_start3A_186 : memref<1x128xi32, #tpu.memory_space<vmem>> -> memref<128xi32, #tpu.memory_space<vmem>>
        %dma_start3A_188 = arith.constant 0 : i32
        %dma_start3A_189 = arith.constant 0 : i32
        %dma_start3A_190 = tpu.memref_slice %arg13[%dma_start3A_188, %dma_start3A_189] : memref<50176x8xf32, #tpu.memory_space<vmem_shared>> -> memref<50176x8xf32, #tpu.memory_space<vmem_shared>>
        %dma_start3A_191 = tpu.memref_slice %arg11[%dma_start3A_180] : memref<4x!tpu.dma_semaphore, #tpu.memory_space<semaphore_mem>> -> memref<1x!tpu.dma_semaphore, #tpu.memory_space<semaphore_mem>>
        %dma_start3A_192 = tpu.memref_squeeze %dma_start3A_191 : memref<1x!tpu.dma_semaphore, #tpu.memory_space<semaphore_mem>> -> memref<!tpu.dma_semaphore, #tpu.memory_space<semaphore_mem>>
        tpu.enqueue_indirect_dma source(%dma_start3A_190 : memref<50176x8xf32, #tpu.memory_space<vmem_shared>>) target(%dma_start3A_184 : memref<128x8xf32, #tpu.memory_space<vmem>>) offsets(%dma_start3A_187 : memref<128xi32, #tpu.memory_space<vmem>>) semaphore(%dma_start3A_192 : memref<!tpu.dma_semaphore, #tpu.memory_space<semaphore_mem>>)
      } else {
      }
    }
    %scan3A_76 = arith.constant 50 : i32
    %barrier3A_77 = arith.constant 0 : index
    tpu.barrier barrier_id(%barrier3A_77)
    %mul3A_78 = arith.constant 3136 : i32
    %mul3A_79 = arith.muli %arg1, %mul3A_78 : i32
    "tpu.region"() ({
      %run_scoped3A = tpu.sem_alloc : memref<!tpu.dma_semaphore, #tpu.memory_space<semaphore_mem>>
      %dma_start3A_85 = arith.constant 0 : i32
      %dma_start3A_86 = tpu.memref_slice %arg12[%mul3A_79, %dma_start3A_85] : memref<50176x8xf32, #tpu.memory_space<vmem_shared>> -> memref<3136x8xf32, #tpu.memory_space<vmem_shared>>
      %dma_start3A_87 = arith.constant 0 : i32
      %dma_start3A_88 = tpu.memref_slice %arg12[%mul3A_79, %dma_start3A_87] : memref<50176x8xf32, #tpu.memory_space<vmem_shared>> -> memref<3136x8xf32, #tpu.memory_space<vmem_shared>>
      tpu.enqueue_dma source(%dma_start3A_88 : memref<3136x8xf32, #tpu.memory_space<vmem_shared>>) target(%arg10 : memref<3136x8xf32, #tpu.memory_space<vmem>>) target_semaphore(%run_scoped3A : memref<!tpu.dma_semaphore, #tpu.memory_space<semaphore_mem>>)
      %dma_wait3A = arith.constant 0 : i32
      %dma_wait3A_89 = tpu.memref_slice %arg12[%mul3A_79, %dma_wait3A] : memref<50176x8xf32, #tpu.memory_space<vmem_shared>> -> memref<3136x8xf32, #tpu.memory_space<vmem_shared>>
      %dma_wait3A_90 = arith.constant 0 : i32
      %dma_wait3A_91 = tpu.memref_slice %arg12[%mul3A_79, %dma_wait3A_90] : memref<50176x8xf32, #tpu.memory_space<vmem_shared>> -> memref<3136x8xf32, #tpu.memory_space<vmem_shared>>
      tpu.wait_dma2 semaphore(%run_scoped3A : memref<!tpu.dma_semaphore, #tpu.memory_space<semaphore_mem>>) src(%dma_wait3A_91 : memref<3136x8xf32, #tpu.memory_space<vmem_shared>>) dst(%arg10 : memref<3136x8xf32, #tpu.memory_space<vmem>>)
      tpu.yield
    }) : () -> ()
    %mul3A_80 = arith.constant 50176 : i32
    %mul3A_81 = arith.muli %arg0, %mul3A_80 : i32
    %mul3A_82 = arith.constant 3136 : i32
    %mul3A_83 = arith.muli %arg1, %mul3A_82 : i32
    %add3A_84 = arith.addi %mul3A_81, %mul3A_83 : i32
    "tpu.region"() ({
      %run_scoped3A = tpu.sem_alloc : memref<!tpu.dma_semaphore, #tpu.memory_space<semaphore_mem>>
      %dma_start3A_85 = arith.constant 0 : i32
      %dma_start3A_86 = tpu.memref_slice %arg6[%add3A_84, %dma_start3A_85] : memref<100352x8xf32, #tpu.memory_space<hbm>> -> memref<3136x8xf32, #tpu.memory_space<hbm>>
      %dma_start3A_87 = arith.constant 0 : i32
      %dma_start3A_88 = tpu.memref_slice %arg6[%add3A_84, %dma_start3A_87] : memref<100352x8xf32, #tpu.memory_space<hbm>> -> memref<3136x8xf32, #tpu.memory_space<hbm>>
      tpu.enqueue_dma source(%arg10 : memref<3136x8xf32, #tpu.memory_space<vmem>>) target(%dma_start3A_88 : memref<3136x8xf32, #tpu.memory_space<hbm>>) target_semaphore(%run_scoped3A : memref<!tpu.dma_semaphore, #tpu.memory_space<semaphore_mem>>)
      %dma_wait3A = arith.constant 0 : i32
      %dma_wait3A_89 = tpu.memref_slice %arg6[%add3A_84, %dma_wait3A] : memref<100352x8xf32, #tpu.memory_space<hbm>> -> memref<3136x8xf32, #tpu.memory_space<hbm>>
      %dma_wait3A_90 = arith.constant 0 : i32
      %dma_wait3A_91 = tpu.memref_slice %arg6[%add3A_84, %dma_wait3A_90] : memref<100352x8xf32, #tpu.memory_space<hbm>> -> memref<3136x8xf32, #tpu.memory_space<hbm>>
      tpu.wait_dma2 semaphore(%run_scoped3A : memref<!tpu.dma_semaphore, #tpu.memory_space<semaphore_mem>>) src(%arg10 : memref<3136x8xf32, #tpu.memory_space<vmem>>) dst(%dma_wait3A_91 : memref<3136x8xf32, #tpu.memory_space<hbm>>)
      tpu.yield
    }) : () -> ()
    return
  }
}

#map = affine_map<(d0, d1) -> (0, 0)>
#map1 = affine_map<(d0, d1) -> (0)>
module attributes {stable_mosaic.version = 14 : i64} {
  func.func @deg_pass(%arg0: i32, %arg1: i32, %arg2: memref<6400x128xi32, #tpu.memory_space<hbm>>, %arg3: memref<50176xf32, #tpu.memory_space<hbm>>, %arg4: memref<100352xf32, #tpu.memory_space<hbm>>, %arg5: memref<200x128xi32, #tpu.memory_space<vmem>>, %arg6: memref<128xf32, #tpu.memory_space<vmem>>, %arg7: memref<3136xf32, #tpu.memory_space<vmem>>, %arg8: memref<50176xf32, #tpu.memory_space<vmem_shared>>) attributes {dimension_semantics = [#tpu.dimension_semantics<core_parallel>, #tpu.dimension_semantics<subcore_parallel>], iteration_bounds = array<i64: 2, 16>, scalar_prefetch = 0 : i64, scratch_operands = 4 : i64, tpu.core_type = #tpu.core_type<sc_vector_subcore>, window_params = [{transform_indices = #map}, {transform_indices = #map1}, {transform_indices = #map1}]} {
    %mul3A = arith.constant 16 : i32
    %mul3A_0 = arith.muli %arg0, %mul3A : i32
    %add3A = arith.addi %mul3A_0, %arg1 : i32
    %mul3A_1 = arith.constant 200 : i32
    %mul3A_2 = arith.muli %add3A, %mul3A_1 : i32
    "tpu.region"() ({
      %run_scoped3A = tpu.sem_alloc : memref<!tpu.dma_semaphore, #tpu.memory_space<semaphore_mem>>
      %dma_start3A = arith.constant 0 : i32
      %dma_start3A_66 = tpu.memref_slice %arg2[%mul3A_2, %dma_start3A] : memref<6400x128xi32, #tpu.memory_space<hbm>> -> memref<200x128xi32, #tpu.memory_space<hbm>>
      %dma_start3A_67 = arith.constant 0 : i32
      %dma_start3A_68 = tpu.memref_slice %arg2[%mul3A_2, %dma_start3A_67] : memref<6400x128xi32, #tpu.memory_space<hbm>> -> memref<200x128xi32, #tpu.memory_space<hbm>>
      tpu.enqueue_dma source(%dma_start3A_68 : memref<200x128xi32, #tpu.memory_space<hbm>>) target(%arg5 : memref<200x128xi32, #tpu.memory_space<vmem>>) target_semaphore(%run_scoped3A : memref<!tpu.dma_semaphore, #tpu.memory_space<semaphore_mem>>)
      %dma_wait3A = arith.constant 0 : i32
      %dma_wait3A_69 = tpu.memref_slice %arg2[%mul3A_2, %dma_wait3A] : memref<6400x128xi32, #tpu.memory_space<hbm>> -> memref<200x128xi32, #tpu.memory_space<hbm>>
      %dma_wait3A_70 = arith.constant 0 : i32
      %dma_wait3A_71 = tpu.memref_slice %arg2[%mul3A_2, %dma_wait3A_70] : memref<6400x128xi32, #tpu.memory_space<hbm>> -> memref<200x128xi32, #tpu.memory_space<hbm>>
      tpu.wait_dma2 semaphore(%run_scoped3A : memref<!tpu.dma_semaphore, #tpu.memory_space<semaphore_mem>>) src(%dma_wait3A_71 : memref<200x128xi32, #tpu.memory_space<hbm>>) dst(%arg5 : memref<200x128xi32, #tpu.memory_space<vmem>>)
      tpu.yield
    }) : () -> ()
    %broadcast_in_dim3A = arith.constant 1.000000e+00 : f32
    %broadcast_in_dim3A_3 = vector.broadcast %broadcast_in_dim3A : f32 to vector<16xf32>
    %swap3A = arith.constant 0 : index
    %swap3A_4 = tpu.vector_load %arg6[%swap3A] {strides = array<i32>} : memref<128xf32, #tpu.memory_space<vmem>>, vector<16xf32>,
    %swap3A_5 = vector.shape_cast %swap3A_4 : vector<16xf32> to vector<16xf32>
    %swap3A_6 = vector.shape_cast %broadcast_in_dim3A_3 : vector<16xf32> to vector<16xf32>
    tpu.vector_store %arg6[%swap3A], %swap3A_6 {strides = array<i32>} : memref<128xf32, #tpu.memory_space<vmem>>, vector<16xf32>,
    %broadcast_in_dim3A_7 = arith.constant 1.000000e+00 : f32
    %broadcast_in_dim3A_8 = vector.broadcast %broadcast_in_dim3A_7 : f32 to vector<16xf32>
    %swap3A_9 = arith.constant 16 : index
    %swap3A_10 = tpu.vector_load %arg6[%swap3A_9] {strides = array<i32>} : memref<128xf32, #tpu.memory_space<vmem>>, vector<16xf32>,
    %swap3A_11 = vector.shape_cast %swap3A_10 : vector<16xf32> to vector<16xf32>
    %swap3A_12 = vector.shape_cast %broadcast_in_dim3A_8 : vector<16xf32> to vector<16xf32>
    tpu.vector_store %arg6[%swap3A_9], %swap3A_12 {strides = array<i32>} : memref<128xf32, #tpu.memory_space<vmem>>, vector<16xf32>,
    %broadcast_in_dim3A_13 = arith.constant 1.000000e+00 : f32
    %broadcast_in_dim3A_14 = vector.broadcast %broadcast_in_dim3A_13 : f32 to vector<16xf32>
    %swap3A_15 = arith.constant 32 : index
    %swap3A_16 = tpu.vector_load %arg6[%swap3A_15] {strides = array<i32>} : memref<128xf32, #tpu.memory_space<vmem>>, vector<16xf32>,
    %swap3A_17 = vector.shape_cast %swap3A_16 : vector<16xf32> to vector<16xf32>
    %swap3A_18 = vector.shape_cast %broadcast_in_dim3A_14 : vector<16xf32> to vector<16xf32>
    tpu.vector_store %arg6[%swap3A_15], %swap3A_18 {strides = array<i32>} : memref<128xf32, #tpu.memory_space<vmem>>, vector<16xf32>,
    %broadcast_in_dim3A_19 = arith.constant 1.000000e+00 : f32
    %broadcast_in_dim3A_20 = vector.broadcast %broadcast_in_dim3A_19 : f32 to vector<16xf32>
    %swap3A_21 = arith.constant 48 : index
    %swap3A_22 = tpu.vector_load %arg6[%swap3A_21] {strides = array<i32>} : memref<128xf32, #tpu.memory_space<vmem>>, vector<16xf32>,
    %swap3A_23 = vector.shape_cast %swap3A_22 : vector<16xf32> to vector<16xf32>
    %swap3A_24 = vector.shape_cast %broadcast_in_dim3A_20 : vector<16xf32> to vector<16xf32>
    tpu.vector_store %arg6[%swap3A_21], %swap3A_24 {strides = array<i32>} : memref<128xf32, #tpu.memory_space<vmem>>, vector<16xf32>,
    %broadcast_in_dim3A_25 = arith.constant 1.000000e+00 : f32
    %broadcast_in_dim3A_26 = vector.broadcast %broadcast_in_dim3A_25 : f32 to vector<16xf32>
    %swap3A_27 = arith.constant 64 : index
    %swap3A_28 = tpu.vector_load %arg6[%swap3A_27] {strides = array<i32>} : memref<128xf32, #tpu.memory_space<vmem>>, vector<16xf32>,
    %swap3A_29 = vector.shape_cast %swap3A_28 : vector<16xf32> to vector<16xf32>
    %swap3A_30 = vector.shape_cast %broadcast_in_dim3A_26 : vector<16xf32> to vector<16xf32>
    tpu.vector_store %arg6[%swap3A_27], %swap3A_30 {strides = array<i32>} : memref<128xf32, #tpu.memory_space<vmem>>, vector<16xf32>,
    %broadcast_in_dim3A_31 = arith.constant 1.000000e+00 : f32
    %broadcast_in_dim3A_32 = vector.broadcast %broadcast_in_dim3A_31 : f32 to vector<16xf32>
    %swap3A_33 = arith.constant 80 : index
    %swap3A_34 = tpu.vector_load %arg6[%swap3A_33] {strides = array<i32>} : memref<128xf32, #tpu.memory_space<vmem>>, vector<16xf32>,
    %swap3A_35 = vector.shape_cast %swap3A_34 : vector<16xf32> to vector<16xf32>
    %swap3A_36 = vector.shape_cast %broadcast_in_dim3A_32 : vector<16xf32> to vector<16xf32>
    tpu.vector_store %arg6[%swap3A_33], %swap3A_36 {strides = array<i32>} : memref<128xf32, #tpu.memory_space<vmem>>, vector<16xf32>,
    %broadcast_in_dim3A_37 = arith.constant 1.000000e+00 : f32
    %broadcast_in_dim3A_38 = vector.broadcast %broadcast_in_dim3A_37 : f32 to vector<16xf32>
    %swap3A_39 = arith.constant 96 : index
    %swap3A_40 = tpu.vector_load %arg6[%swap3A_39] {strides = array<i32>} : memref<128xf32, #tpu.memory_space<vmem>>, vector<16xf32>,
    %swap3A_41 = vector.shape_cast %swap3A_40 : vector<16xf32> to vector<16xf32>
    %swap3A_42 = vector.shape_cast %broadcast_in_dim3A_38 : vector<16xf32> to vector<16xf32>
    tpu.vector_store %arg6[%swap3A_39], %swap3A_42 {strides = array<i32>} : memref<128xf32, #tpu.memory_space<vmem>>, vector<16xf32>,
    %broadcast_in_dim3A_43 = arith.constant 1.000000e+00 : f32
    %broadcast_in_dim3A_44 = vector.broadcast %broadcast_in_dim3A_43 : f32 to vector<16xf32>
    %swap3A_45 = arith.constant 112 : index
    %swap3A_46 = tpu.vector_load %arg6[%swap3A_45] {strides = array<i32>} : memref<128xf32, #tpu.memory_space<vmem>>, vector<16xf32>,
    %swap3A_47 = vector.shape_cast %swap3A_46 : vector<16xf32> to vector<16xf32>
    %swap3A_48 = vector.shape_cast %broadcast_in_dim3A_44 : vector<16xf32> to vector<16xf32>
    tpu.vector_store %arg6[%swap3A_45], %swap3A_48 {strides = array<i32>} : memref<128xf32, #tpu.memory_space<vmem>>, vector<16xf32>,
    %mul3A_49 = arith.constant 3136 : i32
    %mul3A_50 = arith.muli %arg1, %mul3A_49 : i32
    "tpu.region"() ({
      %run_scoped3A = tpu.sem_alloc : memref<!tpu.dma_semaphore, #tpu.memory_space<semaphore_mem>>
      %dma_start3A = tpu.memref_slice %arg3[%mul3A_50] : memref<50176xf32, #tpu.memory_space<hbm>> -> memref<3136xf32, #tpu.memory_space<hbm>>
      %dma_start3A_66 = tpu.memref_slice %arg3[%mul3A_50] : memref<50176xf32, #tpu.memory_space<hbm>> -> memref<3136xf32, #tpu.memory_space<hbm>>
      tpu.enqueue_dma source(%dma_start3A_66 : memref<3136xf32, #tpu.memory_space<hbm>>) target(%arg7 : memref<3136xf32, #tpu.memory_space<vmem>>) target_semaphore(%run_scoped3A : memref<!tpu.dma_semaphore, #tpu.memory_space<semaphore_mem>>)
      %dma_wait3A = tpu.memref_slice %arg3[%mul3A_50] : memref<50176xf32, #tpu.memory_space<hbm>> -> memref<3136xf32, #tpu.memory_space<hbm>>
      %dma_wait3A_67 = tpu.memref_slice %arg3[%mul3A_50] : memref<50176xf32, #tpu.memory_space<hbm>> -> memref<3136xf32, #tpu.memory_space<hbm>>
      tpu.wait_dma2 semaphore(%run_scoped3A : memref<!tpu.dma_semaphore, #tpu.memory_space<semaphore_mem>>) src(%dma_wait3A_67 : memref<3136xf32, #tpu.memory_space<hbm>>) dst(%arg7 : memref<3136xf32, #tpu.memory_space<vmem>>)
      tpu.yield
    }) : () -> ()
    %mul3A_51 = arith.constant 3136 : i32
    %mul3A_52 = arith.muli %arg1, %mul3A_51 : i32
    "tpu.region"() ({
      %run_scoped3A = tpu.sem_alloc : memref<!tpu.dma_semaphore, #tpu.memory_space<semaphore_mem>>
      %dma_start3A = tpu.memref_slice %arg8[%mul3A_52] : memref<50176xf32, #tpu.memory_space<vmem_shared>> -> memref<3136xf32, #tpu.memory_space<vmem_shared>>
      %dma_start3A_66 = tpu.memref_slice %arg8[%mul3A_52] : memref<50176xf32, #tpu.memory_space<vmem_shared>> -> memref<3136xf32, #tpu.memory_space<vmem_shared>>
      tpu.enqueue_dma source(%arg7 : memref<3136xf32, #tpu.memory_space<vmem>>) target(%dma_start3A_66 : memref<3136xf32, #tpu.memory_space<vmem_shared>>) target_semaphore(%run_scoped3A : memref<!tpu.dma_semaphore, #tpu.memory_space<semaphore_mem>>)
      %dma_wait3A = tpu.memref_slice %arg8[%mul3A_52] : memref<50176xf32, #tpu.memory_space<vmem_shared>> -> memref<3136xf32, #tpu.memory_space<vmem_shared>>
      %dma_wait3A_67 = tpu.memref_slice %arg8[%mul3A_52] : memref<50176xf32, #tpu.memory_space<vmem_shared>> -> memref<3136xf32, #tpu.memory_space<vmem_shared>>
      tpu.wait_dma2 semaphore(%run_scoped3A : memref<!tpu.dma_semaphore, #tpu.memory_space<semaphore_mem>>) src(%arg7 : memref<3136xf32, #tpu.memory_space<vmem>>) dst(%dma_wait3A_67 : memref<3136xf32, #tpu.memory_space<vmem_shared>>)
      tpu.yield
    }) : () -> ()
    %barrier3A = arith.constant 0 : index
    tpu.barrier barrier_id(%barrier3A)
    %scan3A = arith.constant 0 : i32
    %scan3A_53 = arith.constant 0 : i32
    %scan3A_54 = arith.constant 200 : i32
    %scan3A_55 = arith.addi %scan3A_53, %scan3A_54 : i32
    %scan3A_56 = arith.constant 1 : i32
    scf.for %scan3A_66 = %scan3A_53 to %scan3A_55 step %scan3A_56  : i32 {
      "tpu.region"() ({
        %run_scoped3A = tpu.sem_alloc : memref<!tpu.dma_semaphore, #tpu.memory_space<semaphore_mem>>
        %dma_start3A = arith.constant 0 : i32
        %dma_start3A_67 = tpu.memref_slice %arg5[%scan3A_66, %dma_start3A] : memref<200x128xi32, #tpu.memory_space<vmem>> -> memref<1x128xi32, #tpu.memory_space<vmem>>
        %dma_start3A_68 = tpu.memref_squeeze %dma_start3A_67 : memref<1x128xi32, #tpu.memory_space<vmem>> -> memref<128xi32, #tpu.memory_space<vmem>>
        %dma_start3A_69 = arith.constant 0 : i32
        %dma_start3A_70 = tpu.memref_slice %arg8[%dma_start3A_69] : memref<50176xf32, #tpu.memory_space<vmem_shared>> -> memref<50176xf32, #tpu.memory_space<vmem_shared>>
        tpu.enqueue_indirect_dma source(%arg6 : memref<128xf32, #tpu.memory_space<vmem>>) target(%dma_start3A_70 : memref<50176xf32, #tpu.memory_space<vmem_shared>>) offsets(%dma_start3A_68 : memref<128xi32, #tpu.memory_space<vmem>>) semaphore(%run_scoped3A : memref<!tpu.dma_semaphore, #tpu.memory_space<semaphore_mem>>) {add = true}
        %dma_wait3A = arith.constant 0 : i32
        %dma_wait3A_71 = tpu.memref_slice %arg5[%scan3A_66, %dma_wait3A] : memref<200x128xi32, #tpu.memory_space<vmem>> -> memref<1x128xi32, #tpu.memory_space<vmem>>
        %dma_wait3A_72 = tpu.memref_squeeze %dma_wait3A_71 : memref<1x128xi32, #tpu.memory_space<vmem>> -> memref<128xi32, #tpu.memory_space<vmem>>
        %dma_wait3A_73 = arith.constant 0 : i32
        %dma_wait3A_74 = tpu.memref_slice %arg8[%dma_wait3A_73] : memref<50176xf32, #tpu.memory_space<vmem_shared>> -> memref<50176xf32, #tpu.memory_space<vmem_shared>>
        tpu.wait_indirect_dma semaphore(%run_scoped3A : memref<!tpu.dma_semaphore, #tpu.memory_space<semaphore_mem>>) src(%arg6 : memref<128xf32, #tpu.memory_space<vmem>>) dst(%dma_wait3A_74 : memref<50176xf32, #tpu.memory_space<vmem_shared>>)
        tpu.yield
      }) : () -> ()
    }
    %scan3A_57 = arith.constant 200 : i32
    %barrier3A_58 = arith.constant 0 : index
    tpu.barrier barrier_id(%barrier3A_58)
    %mul3A_59 = arith.constant 3136 : i32
    %mul3A_60 = arith.muli %arg1, %mul3A_59 : i32
    "tpu.region"() ({
      %run_scoped3A = tpu.sem_alloc : memref<!tpu.dma_semaphore, #tpu.memory_space<semaphore_mem>>
      %dma_start3A = tpu.memref_slice %arg8[%mul3A_60] : memref<50176xf32, #tpu.memory_space<vmem_shared>> -> memref<3136xf32, #tpu.memory_space<vmem_shared>>
      %dma_start3A_66 = tpu.memref_slice %arg8[%mul3A_60] : memref<50176xf32, #tpu.memory_space<vmem_shared>> -> memref<3136xf32, #tpu.memory_space<vmem_shared>>
      tpu.enqueue_dma source(%dma_start3A_66 : memref<3136xf32, #tpu.memory_space<vmem_shared>>) target(%arg7 : memref<3136xf32, #tpu.memory_space<vmem>>) target_semaphore(%run_scoped3A : memref<!tpu.dma_semaphore, #tpu.memory_space<semaphore_mem>>)
      %dma_wait3A = tpu.memref_slice %arg8[%mul3A_60] : memref<50176xf32, #tpu.memory_space<vmem_shared>> -> memref<3136xf32, #tpu.memory_space<vmem_shared>>
      %dma_wait3A_67 = tpu.memref_slice %arg8[%mul3A_60] : memref<50176xf32, #tpu.memory_space<vmem_shared>> -> memref<3136xf32, #tpu.memory_space<vmem_shared>>
      tpu.wait_dma2 semaphore(%run_scoped3A : memref<!tpu.dma_semaphore, #tpu.memory_space<semaphore_mem>>) src(%dma_wait3A_67 : memref<3136xf32, #tpu.memory_space<vmem_shared>>) dst(%arg7 : memref<3136xf32, #tpu.memory_space<vmem>>)
      tpu.yield
    }) : () -> ()
    %mul3A_61 = arith.constant 50176 : i32
    %mul3A_62 = arith.muli %arg0, %mul3A_61 : i32
    %mul3A_63 = arith.constant 3136 : i32
    %mul3A_64 = arith.muli %arg1, %mul3A_63 : i32
    %add3A_65 = arith.addi %mul3A_62, %mul3A_64 : i32
    "tpu.region"() ({
      %run_scoped3A = tpu.sem_alloc : memref<!tpu.dma_semaphore, #tpu.memory_space<semaphore_mem>>
      %dma_start3A = tpu.memref_slice %arg4[%add3A_65] : memref<100352xf32, #tpu.memory_space<hbm>> -> memref<3136xf32, #tpu.memory_space<hbm>>
      %dma_start3A_66 = tpu.memref_slice %arg4[%add3A_65] : memref<100352xf32, #tpu.memory_space<hbm>> -> memref<3136xf32, #tpu.memory_space<hbm>>
      tpu.enqueue_dma source(%arg7 : memref<3136xf32, #tpu.memory_space<vmem>>) target(%dma_start3A_66 : memref<3136xf32, #tpu.memory_space<hbm>>) target_semaphore(%run_scoped3A : memref<!tpu.dma_semaphore, #tpu.memory_space<semaphore_mem>>)
      %dma_wait3A = tpu.memref_slice %arg4[%add3A_65] : memref<100352xf32, #tpu.memory_space<hbm>> -> memref<3136xf32, #tpu.memory_space<hbm>>
      %dma_wait3A_67 = tpu.memref_slice %arg4[%add3A_65] : memref<100352xf32, #tpu.memory_space<hbm>> -> memref<3136xf32, #tpu.memory_space<hbm>>
      tpu.wait_dma2 semaphore(%run_scoped3A : memref<!tpu.dma_semaphore, #tpu.memory_space<semaphore_mem>>) src(%arg7 : memref<3136xf32, #tpu.memory_space<vmem>>) dst(%dma_wait3A_67 : memref<3136xf32, #tpu.memory_space<hbm>>)
      tpu.yield
    }) : () -> ()
    return
  }
}

#map = affine_map<(d0, d1) -> (0, 0)>
module attributes {stable_mosaic.version = 14 : i64} {
  func.func @edge_pass(%arg0: i32, %arg1: i32, %arg2: memref<50176x8xf32, #tpu.memory_space<hbm>>, %arg3: memref<6400x128xi32, #tpu.memory_space<hbm>>, %arg4: memref<6400x128xi32, #tpu.memory_space<hbm>>, %arg5: memref<50176x8xf32, #tpu.memory_space<hbm>>, %arg6: memref<100352x8xf32, #tpu.memory_space<hbm>>, %arg7: memref<200x128xi32, #tpu.memory_space<vmem>>, %arg8: memref<200x128xi32, #tpu.memory_space<vmem>>, %arg9: memref<4x128x8xf32, #tpu.memory_space<vmem>>, %arg10: memref<3136x8xf32, #tpu.memory_space<vmem>>, %arg11: memref<4x!tpu.dma_semaphore, #tpu.memory_space<semaphore_mem>>, %arg12: memref<50176x8xf32, #tpu.memory_space<vmem_shared>>, %arg13: memref<50176x8xf32, #tpu.memory_space<vmem_shared>>) attributes {dimension_semantics = [#tpu.dimension_semantics<core_parallel>, #tpu.dimension_semantics<subcore_parallel>], iteration_bounds = array<i64: 2, 16>, scalar_prefetch = 0 : i64, scratch_operands = 7 : i64, tpu.core_type = #tpu.core_type<sc_vector_subcore>, window_params = [{transform_indices = #map}, {transform_indices = #map}, {transform_indices = #map}, {transform_indices = #map}, {transform_indices = #map}]} {
    %mul3A = arith.constant 16 : i32
    %mul3A_0 = arith.muli %arg0, %mul3A : i32
    %add3A = arith.addi %mul3A_0, %arg1 : i32
    %mul3A_1 = arith.constant 200 : i32
    %mul3A_2 = arith.muli %add3A, %mul3A_1 : i32
    "tpu.region"() ({
      %run_scoped3A = tpu.sem_alloc : memref<!tpu.dma_semaphore, #tpu.memory_space<semaphore_mem>>
      %dma_start3A_85 = arith.constant 0 : i32
      %dma_start3A_86 = tpu.memref_slice %arg3[%mul3A_2, %dma_start3A_85] : memref<6400x128xi32, #tpu.memory_space<hbm>> -> memref<200x128xi32, #tpu.memory_space<hbm>>
      %dma_start3A_87 = arith.constant 0 : i32
      %dma_start3A_88 = tpu.memref_slice %arg3[%mul3A_2, %dma_start3A_87] : memref<6400x128xi32, #tpu.memory_space<hbm>> -> memref<200x128xi32, #tpu.memory_space<hbm>>
      tpu.enqueue_dma source(%dma_start3A_88 : memref<200x128xi32, #tpu.memory_space<hbm>>) target(%arg7 : memref<200x128xi32, #tpu.memory_space<vmem>>) target_semaphore(%run_scoped3A : memref<!tpu.dma_semaphore, #tpu.memory_space<semaphore_mem>>)
      %dma_wait3A = arith.constant 0 : i32
      %dma_wait3A_89 = tpu.memref_slice %arg3[%mul3A_2, %dma_wait3A] : memref<6400x128xi32, #tpu.memory_space<hbm>> -> memref<200x128xi32, #tpu.memory_space<hbm>>
      %dma_wait3A_90 = arith.constant 0 : i32
      %dma_wait3A_91 = tpu.memref_slice %arg3[%mul3A_2, %dma_wait3A_90] : memref<6400x128xi32, #tpu.memory_space<hbm>> -> memref<200x128xi32, #tpu.memory_space<hbm>>
      tpu.wait_dma2 semaphore(%run_scoped3A : memref<!tpu.dma_semaphore, #tpu.memory_space<semaphore_mem>>) src(%dma_wait3A_91 : memref<200x128xi32, #tpu.memory_space<hbm>>) dst(%arg7 : memref<200x128xi32, #tpu.memory_space<vmem>>)
      tpu.yield
    }) : () -> ()
    %mul3A_3 = arith.constant 200 : i32
    %mul3A_4 = arith.muli %add3A, %mul3A_3 : i32
    "tpu.region"() ({
      %run_scoped3A = tpu.sem_alloc : memref<!tpu.dma_semaphore, #tpu.memory_space<semaphore_mem>>
      %dma_start3A_85 = arith.constant 0 : i32
      %dma_start3A_86 = tpu.memref_slice %arg4[%mul3A_4, %dma_start3A_85] : memref<6400x128xi32, #tpu.memory_space<hbm>> -> memref<200x128xi32, #tpu.memory_space<hbm>>
      %dma_start3A_87 = arith.constant 0 : i32
      %dma_start3A_88 = tpu.memref_slice %arg4[%mul3A_4, %dma_start3A_87] : memref<6400x128xi32, #tpu.memory_space<hbm>> -> memref<200x128xi32, #tpu.memory_space<hbm>>
      tpu.enqueue_dma source(%dma_start3A_88 : memref<200x128xi32, #tpu.memory_space<hbm>>) target(%arg8 : memref<200x128xi32, #tpu.memory_space<vmem>>) target_semaphore(%run_scoped3A : memref<!tpu.dma_semaphore, #tpu.memory_space<semaphore_mem>>)
      %dma_wait3A = arith.constant 0 : i32
      %dma_wait3A_89 = tpu.memref_slice %arg4[%mul3A_4, %dma_wait3A] : memref<6400x128xi32, #tpu.memory_space<hbm>> -> memref<200x128xi32, #tpu.memory_space<hbm>>
      %dma_wait3A_90 = arith.constant 0 : i32
      %dma_wait3A_91 = tpu.memref_slice %arg4[%mul3A_4, %dma_wait3A_90] : memref<6400x128xi32, #tpu.memory_space<hbm>> -> memref<200x128xi32, #tpu.memory_space<hbm>>
      tpu.wait_dma2 semaphore(%run_scoped3A : memref<!tpu.dma_semaphore, #tpu.memory_space<semaphore_mem>>) src(%dma_wait3A_91 : memref<200x128xi32, #tpu.memory_space<hbm>>) dst(%arg8 : memref<200x128xi32, #tpu.memory_space<vmem>>)
      tpu.yield
    }) : () -> ()
    %mul3A_5 = arith.constant 3136 : i32
    %mul3A_6 = arith.muli %arg1, %mul3A_5 : i32
    "tpu.region"() ({
      %run_scoped3A = tpu.sem_alloc : memref<!tpu.dma_semaphore, #tpu.memory_space<semaphore_mem>>
      %dma_start3A_85 = arith.constant 0 : i32
      %dma_start3A_86 = tpu.memref_slice %arg2[%mul3A_6, %dma_start3A_85] : memref<50176x8xf32, #tpu.memory_space<hbm>> -> memref<3136x8xf32, #tpu.memory_space<hbm>>
      %dma_start3A_87 = arith.constant 0 : i32
      %dma_start3A_88 = tpu.memref_slice %arg2[%mul3A_6, %dma_start3A_87] : memref<50176x8xf32, #tpu.memory_space<hbm>> -> memref<3136x8xf32, #tpu.memory_space<hbm>>
      tpu.enqueue_dma source(%dma_start3A_88 : memref<3136x8xf32, #tpu.memory_space<hbm>>) target(%arg10 : memref<3136x8xf32, #tpu.memory_space<vmem>>) target_semaphore(%run_scoped3A : memref<!tpu.dma_semaphore, #tpu.memory_space<semaphore_mem>>)
      %dma_wait3A = arith.constant 0 : i32
      %dma_wait3A_89 = tpu.memref_slice %arg2[%mul3A_6, %dma_wait3A] : memref<50176x8xf32, #tpu.memory_space<hbm>> -> memref<3136x8xf32, #tpu.memory_space<hbm>>
      %dma_wait3A_90 = arith.constant 0 : i32
      %dma_wait3A_91 = tpu.memref_slice %arg2[%mul3A_6, %dma_wait3A_90] : memref<50176x8xf32, #tpu.memory_space<hbm>> -> memref<3136x8xf32, #tpu.memory_space<hbm>>
      tpu.wait_dma2 semaphore(%run_scoped3A : memref<!tpu.dma_semaphore, #tpu.memory_space<semaphore_mem>>) src(%dma_wait3A_91 : memref<3136x8xf32, #tpu.memory_space<hbm>>) dst(%arg10 : memref<3136x8xf32, #tpu.memory_space<vmem>>)
      tpu.yield
    }) : () -> ()
    %mul3A_7 = arith.constant 3136 : i32
    %mul3A_8 = arith.muli %arg1, %mul3A_7 : i32
    "tpu.region"() ({
      %run_scoped3A = tpu.sem_alloc : memref<!tpu.dma_semaphore, #tpu.memory_space<semaphore_mem>>
      %dma_start3A_85 = arith.constant 0 : i32
      %dma_start3A_86 = tpu.memref_slice %arg13[%mul3A_8, %dma_start3A_85] : memref<50176x8xf32, #tpu.memory_space<vmem_shared>> -> memref<3136x8xf32, #tpu.memory_space<vmem_shared>>
      %dma_start3A_87 = arith.constant 0 : i32
      %dma_start3A_88 = tpu.memref_slice %arg13[%mul3A_8, %dma_start3A_87] : memref<50176x8xf32, #tpu.memory_space<vmem_shared>> -> memref<3136x8xf32, #tpu.memory_space<vmem_shared>>
      tpu.enqueue_dma source(%arg10 : memref<3136x8xf32, #tpu.memory_space<vmem>>) target(%dma_start3A_88 : memref<3136x8xf32, #tpu.memory_space<vmem_shared>>) target_semaphore(%run_scoped3A : memref<!tpu.dma_semaphore, #tpu.memory_space<semaphore_mem>>)
      %dma_wait3A = arith.constant 0 : i32
      %dma_wait3A_89 = tpu.memref_slice %arg13[%mul3A_8, %dma_wait3A] : memref<50176x8xf32, #tpu.memory_space<vmem_shared>> -> memref<3136x8xf32, #tpu.memory_space<vmem_shared>>
      %dma_wait3A_90 = arith.constant 0 : i32
      %dma_wait3A_91 = tpu.memref_slice %arg13[%mul3A_8, %dma_wait3A_90] : memref<50176x8xf32, #tpu.memory_space<vmem_shared>> -> memref<3136x8xf32, #tpu.memory_space<vmem_shared>>
      tpu.wait_dma2 semaphore(%run_scoped3A : memref<!tpu.dma_semaphore, #tpu.memory_space<semaphore_mem>>) src(%arg10 : memref<3136x8xf32, #tpu.memory_space<vmem>>) dst(%dma_wait3A_91 : memref<3136x8xf32, #tpu.memory_space<vmem_shared>>)
      tpu.yield
    }) : () -> ()
    %mul3A_9 = arith.constant 3136 : i32
    %mul3A_10 = arith.muli %arg1, %mul3A_9 : i32
    "tpu.region"() ({
      %run_scoped3A = tpu.sem_alloc : memref<!tpu.dma_semaphore, #tpu.memory_space<semaphore_mem>>
      %dma_start3A_85 = arith.constant 0 : i32
      %dma_start3A_86 = tpu.memref_slice %arg5[%mul3A_10, %dma_start3A_85] : memref<50176x8xf32, #tpu.memory_space<hbm>> -> memref<3136x8xf32, #tpu.memory_space<hbm>>
      %dma_start3A_87 = arith.constant 0 : i32
      %dma_start3A_88 = tpu.memref_slice %arg5[%mul3A_10, %dma_start3A_87] : memref<50176x8xf32, #tpu.memory_space<hbm>> -> memref<3136x8xf32, #tpu.memory_space<hbm>>
      tpu.enqueue_dma source(%dma_start3A_88 : memref<3136x8xf32, #tpu.memory_space<hbm>>) target(%arg10 : memref<3136x8xf32, #tpu.memory_space<vmem>>) target_semaphore(%run_scoped3A : memref<!tpu.dma_semaphore, #tpu.memory_space<semaphore_mem>>)
      %dma_wait3A = arith.constant 0 : i32
      %dma_wait3A_89 = tpu.memref_slice %arg5[%mul3A_10, %dma_wait3A] : memref<50176x8xf32, #tpu.memory_space<hbm>> -> memref<3136x8xf32, #tpu.memory_space<hbm>>
      %dma_wait3A_90 = arith.constant 0 : i32
      %dma_wait3A_91 = tpu.memref_slice %arg5[%mul3A_10, %dma_wait3A_90] : memref<50176x8xf32, #tpu.memory_space<hbm>> -> memref<3136x8xf32, #tpu.memory_space<hbm>>
      tpu.wait_dma2 semaphore(%run_scoped3A : memref<!tpu.dma_semaphore, #tpu.memory_space<semaphore_mem>>) src(%dma_wait3A_91 : memref<3136x8xf32, #tpu.memory_space<hbm>>) dst(%arg10 : memref<3136x8xf32, #tpu.memory_space<vmem>>)
      tpu.yield
    }) : () -> ()
    %mul3A_11 = arith.constant 3136 : i32
    %mul3A_12 = arith.muli %arg1, %mul3A_11 : i32
    "tpu.region"() ({
      %run_scoped3A = tpu.sem_alloc : memref<!tpu.dma_semaphore, #tpu.memory_space<semaphore_mem>>
      %dma_start3A_85 = arith.constant 0 : i32
      %dma_start3A_86 = tpu.memref_slice %arg12[%mul3A_12, %dma_start3A_85] : memref<50176x8xf32, #tpu.memory_space<vmem_shared>> -> memref<3136x8xf32, #tpu.memory_space<vmem_shared>>
      %dma_start3A_87 = arith.constant 0 : i32
      %dma_start3A_88 = tpu.memref_slice %arg12[%mul3A_12, %dma_start3A_87] : memref<50176x8xf32, #tpu.memory_space<vmem_shared>> -> memref<3136x8xf32, #tpu.memory_space<vmem_shared>>
      tpu.enqueue_dma source(%arg10 : memref<3136x8xf32, #tpu.memory_space<vmem>>) target(%dma_start3A_88 : memref<3136x8xf32, #tpu.memory_space<vmem_shared>>) target_semaphore(%run_scoped3A : memref<!tpu.dma_semaphore, #tpu.memory_space<semaphore_mem>>)
      %dma_wait3A = arith.constant 0 : i32
      %dma_wait3A_89 = tpu.memref_slice %arg12[%mul3A_12, %dma_wait3A] : memref<50176x8xf32, #tpu.memory_space<vmem_shared>> -> memref<3136x8xf32, #tpu.memory_space<vmem_shared>>
      %dma_wait3A_90 = arith.constant 0 : i32
      %dma_wait3A_91 = tpu.memref_slice %arg12[%mul3A_12, %dma_wait3A_90] : memref<50176x8xf32, #tpu.memory_space<vmem_shared>> -> memref<3136x8xf32, #tpu.memory_space<vmem_shared>>
      tpu.wait_dma2 semaphore(%run_scoped3A : memref<!tpu.dma_semaphore, #tpu.memory_space<semaphore_mem>>) src(%arg10 : memref<3136x8xf32, #tpu.memory_space<vmem>>) dst(%dma_wait3A_91 : memref<3136x8xf32, #tpu.memory_space<vmem_shared>>)
      tpu.yield
    }) : () -> ()
    %barrier3A = arith.constant 0 : index
    tpu.barrier barrier_id(%barrier3A)
    %dma_start3A = arith.constant 0 : i32
    %dma_start3A_13 = arith.constant 0 : i32
    %dma_start3A_14 = arith.constant 0 : i32
    %dma_start3A_15 = arith.constant 0 : i32
    %dma_start3A_16 = arith.constant 0 : i32
    %dma_start3A_17 = tpu.memref_slice %arg9[%dma_start3A_13, %dma_start3A_15, %dma_start3A_16] : memref<4x128x8xf32, #tpu.memory_space<vmem>> -> memref<1x128x8xf32, #tpu.memory_space<vmem>>
    %dma_start3A_18 = tpu.memref_squeeze %dma_start3A_17 : memref<1x128x8xf32, #tpu.memory_space<vmem>> -> memref<128x8xf32, #tpu.memory_space<vmem>>
    %dma_start3A_19 = arith.constant 0 : i32
    %dma_start3A_20 = tpu.memref_slice %arg7[%dma_start3A, %dma_start3A_19] : memref<200x128xi32, #tpu.memory_space<vmem>> -> memref<1x128xi32, #tpu.memory_space<vmem>>
    %dma_start3A_21 = tpu.memref_squeeze %dma_start3A_20 : memref<1x128xi32, #tpu.memory_space<vmem>> -> memref<128xi32, #tpu.memory_space<vmem>>
    %dma_start3A_22 = arith.constant 0 : i32
    %dma_start3A_23 = arith.constant 0 : i32
    %dma_start3A_24 = tpu.memref_slice %arg13[%dma_start3A_22, %dma_start3A_23] : memref<50176x8xf32, #tpu.memory_space<vmem_shared>> -> memref<50176x8xf32, #tpu.memory_space<vmem_shared>>
    %dma_start3A_25 = tpu.memref_slice %arg11[%dma_start3A_14] : memref<4x!tpu.dma_semaphore, #tpu.memory_space<semaphore_mem>> -> memref<1x!tpu.dma_semaphore, #tpu.memory_space<semaphore_mem>>
    %dma_start3A_26 = tpu.memref_squeeze %dma_start3A_25 : memref<1x!tpu.dma_semaphore, #tpu.memory_space<semaphore_mem>> -> memref<!tpu.dma_semaphore, #tpu.memory_space<semaphore_mem>>
    tpu.enqueue_indirect_dma source(%dma_start3A_24 : memref<50176x8xf32, #tpu.memory_space<vmem_shared>>) target(%dma_start3A_18 : memref<128x8xf32, #tpu.memory_space<vmem>>) offsets(%dma_start3A_21 : memref<128xi32, #tpu.memory_space<vmem>>) semaphore(%dma_start3A_26 : memref<!tpu.dma_semaphore, #tpu.memory_space<semaphore_mem>>)
    %dma_start3A_27 = arith.constant 1 : i32
    %dma_start3A_28 = arith.constant 1 : i32
    %dma_start3A_29 = arith.constant 1 : i32
    %dma_start3A_30 = arith.constant 0 : i32
    %dma_start3A_31 = arith.constant 0 : i32
    %dma_start3A_32 = tpu.memref_slice %arg9[%dma_start3A_28, %dma_start3A_30, %dma_start3A_31] : memref<4x128x8xf32, #tpu.memory_space<vmem>> -> memref<1x128x8xf32, #tpu.memory_space<vmem>>
    %dma_start3A_33 = tpu.memref_squeeze %dma_start3A_32 : memref<1x128x8xf32, #tpu.memory_space<vmem>> -> memref<128x8xf32, #tpu.memory_space<vmem>>
    %dma_start3A_34 = arith.constant 0 : i32
    %dma_start3A_35 = tpu.memref_slice %arg7[%dma_start3A_27, %dma_start3A_34] : memref<200x128xi32, #tpu.memory_space<vmem>> -> memref<1x128xi32, #tpu.memory_space<vmem>>
    %dma_start3A_36 = tpu.memref_squeeze %dma_start3A_35 : memref<1x128xi32, #tpu.memory_space<vmem>> -> memref<128xi32, #tpu.memory_space<vmem>>
    %dma_start3A_37 = arith.constant 0 : i32
    %dma_start3A_38 = arith.constant 0 : i32
    %dma_start3A_39 = tpu.memref_slice %arg13[%dma_start3A_37, %dma_start3A_38] : memref<50176x8xf32, #tpu.memory_space<vmem_shared>> -> memref<50176x8xf32, #tpu.memory_space<vmem_shared>>
    %dma_start3A_40 = tpu.memref_slice %arg11[%dma_start3A_29] : memref<4x!tpu.dma_semaphore, #tpu.memory_space<semaphore_mem>> -> memref<1x!tpu.dma_semaphore, #tpu.memory_space<semaphore_mem>>
    %dma_start3A_41 = tpu.memref_squeeze %dma_start3A_40 : memref<1x!tpu.dma_semaphore, #tpu.memory_space<semaphore_mem>> -> memref<!tpu.dma_semaphore, #tpu.memory_space<semaphore_mem>>
    tpu.enqueue_indirect_dma source(%dma_start3A_39 : memref<50176x8xf32, #tpu.memory_space<vmem_shared>>) target(%dma_start3A_33 : memref<128x8xf32, #tpu.memory_space<vmem>>) offsets(%dma_start3A_36 : memref<128xi32, #tpu.memory_space<vmem>>) semaphore(%dma_start3A_41 : memref<!tpu.dma_semaphore, #tpu.memory_space<semaphore_mem>>)
    %dma_start3A_42 = arith.constant 2 : i32
    %dma_start3A_43 = arith.constant 2 : i32
    %dma_start3A_44 = arith.constant 2 : i32
    %dma_start3A_45 = arith.constant 0 : i32
    %dma_start3A_46 = arith.constant 0 : i32
    %dma_start3A_47 = tpu.memref_slice %arg9[%dma_start3A_43, %dma_start3A_45, %dma_start3A_46] : memref<4x128x8xf32, #tpu.memory_space<vmem>> -> memref<1x128x8xf32, #tpu.memory_space<vmem>>
    %dma_start3A_48 = tpu.memref_squeeze %dma_start3A_47 : memref<1x128x8xf32, #tpu.memory_space<vmem>> -> memref<128x8xf32, #tpu.memory_space<vmem>>
    %dma_start3A_49 = arith.constant 0 : i32
    %dma_start3A_50 = tpu.memref_slice %arg7[%dma_start3A_42, %dma_start3A_49] : memref<200x128xi32, #tpu.memory_space<vmem>> -> memref<1x128xi32, #tpu.memory_space<vmem>>
    %dma_start3A_51 = tpu.memref_squeeze %dma_start3A_50 : memref<1x128xi32, #tpu.memory_space<vmem>> -> memref<128xi32, #tpu.memory_space<vmem>>
    %dma_start3A_52 = arith.constant 0 : i32
    %dma_start3A_53 = arith.constant 0 : i32
    %dma_start3A_54 = tpu.memref_slice %arg13[%dma_start3A_52, %dma_start3A_53] : memref<50176x8xf32, #tpu.memory_space<vmem_shared>> -> memref<50176x8xf32, #tpu.memory_space<vmem_shared>>
    %dma_start3A_55 = tpu.memref_slice %arg11[%dma_start3A_44] : memref<4x!tpu.dma_semaphore, #tpu.memory_space<semaphore_mem>> -> memref<1x!tpu.dma_semaphore, #tpu.memory_space<semaphore_mem>>
    %dma_start3A_56 = tpu.memref_squeeze %dma_start3A_55 : memref<1x!tpu.dma_semaphore, #tpu.memory_space<semaphore_mem>> -> memref<!tpu.dma_semaphore, #tpu.memory_space<semaphore_mem>>
    tpu.enqueue_indirect_dma source(%dma_start3A_54 : memref<50176x8xf32, #tpu.memory_space<vmem_shared>>) target(%dma_start3A_48 : memref<128x8xf32, #tpu.memory_space<vmem>>) offsets(%dma_start3A_51 : memref<128xi32, #tpu.memory_space<vmem>>) semaphore(%dma_start3A_56 : memref<!tpu.dma_semaphore, #tpu.memory_space<semaphore_mem>>)
    %dma_start3A_57 = arith.constant 3 : i32
    %dma_start3A_58 = arith.constant 3 : i32
    %dma_start3A_59 = arith.constant 3 : i32
    %dma_start3A_60 = arith.constant 0 : i32
    %dma_start3A_61 = arith.constant 0 : i32
    %dma_start3A_62 = tpu.memref_slice %arg9[%dma_start3A_58, %dma_start3A_60, %dma_start3A_61] : memref<4x128x8xf32, #tpu.memory_space<vmem>> -> memref<1x128x8xf32, #tpu.memory_space<vmem>>
    %dma_start3A_63 = tpu.memref_squeeze %dma_start3A_62 : memref<1x128x8xf32, #tpu.memory_space<vmem>> -> memref<128x8xf32, #tpu.memory_space<vmem>>
    %dma_start3A_64 = arith.constant 0 : i32
    %dma_start3A_65 = tpu.memref_slice %arg7[%dma_start3A_57, %dma_start3A_64] : memref<200x128xi32, #tpu.memory_space<vmem>> -> memref<1x128xi32, #tpu.memory_space<vmem>>
    %dma_start3A_66 = tpu.memref_squeeze %dma_start3A_65 : memref<1x128xi32, #tpu.memory_space<vmem>> -> memref<128xi32, #tpu.memory_space<vmem>>
    %dma_start3A_67 = arith.constant 0 : i32
    %dma_start3A_68 = arith.constant 0 : i32
    %dma_start3A_69 = tpu.memref_slice %arg13[%dma_start3A_67, %dma_start3A_68] : memref<50176x8xf32, #tpu.memory_space<vmem_shared>> -> memref<50176x8xf32, #tpu.memory_space<vmem_shared>>
    %dma_start3A_70 = tpu.memref_slice %arg11[%dma_start3A_59] : memref<4x!tpu.dma_semaphore, #tpu.memory_space<semaphore_mem>> -> memref<1x!tpu.dma_semaphore, #tpu.memory_space<semaphore_mem>>
    %dma_start3A_71 = tpu.memref_squeeze %dma_start3A_70 : memref<1x!tpu.dma_semaphore, #tpu.memory_space<semaphore_mem>> -> memref<!tpu.dma_semaphore, #tpu.memory_space<semaphore_mem>>
    tpu.enqueue_indirect_dma source(%dma_start3A_69 : memref<50176x8xf32, #tpu.memory_space<vmem_shared>>) target(%dma_start3A_63 : memref<128x8xf32, #tpu.memory_space<vmem>>) offsets(%dma_start3A_66 : memref<128xi32, #tpu.memory_space<vmem>>) semaphore(%dma_start3A_71 : memref<!tpu.dma_semaphore, #tpu.memory_space<semaphore_mem>>)
    %scan3A = arith.constant 0 : i32
    %scan3A_72 = arith.constant 0 : i32
    %scan3A_73 = arith.constant 50 : i32
    %scan3A_74 = arith.addi %scan3A_72, %scan3A_73 : i32
    %scan3A_75 = arith.constant 1 : i32
    scf.for %scan3A_85 = %scan3A_72 to %scan3A_74 step %scan3A_75  : i32 {
      %mul3A_86 = arith.constant 4 : i32
      %mul3A_87 = arith.muli %scan3A_85, %mul3A_86 : i32
      %add3A_88 = arith.constant 0 : i32
      %add3A_89 = arith.addi %mul3A_87, %add3A_88 : i32
      %dma_wait3A = arith.constant 0 : i32
      %dma_wait3A_90 = arith.constant 0 : i32
      %dma_wait3A_91 = arith.constant 0 : i32
      %dma_wait3A_92 = arith.constant 0 : i32
      %dma_wait3A_93 = tpu.memref_slice %arg9[%dma_wait3A, %dma_wait3A_91, %dma_wait3A_92] : memref<4x128x8xf32, #tpu.memory_space<vmem>> -> memref<1x128x8xf32, #tpu.memory_space<vmem>>
      %dma_wait3A_94 = tpu.memref_squeeze %dma_wait3A_93 : memref<1x128x8xf32, #tpu.memory_space<vmem>> -> memref<128x8xf32, #tpu.memory_space<vmem>>
      %dma_wait3A_95 = arith.constant 0 : i32
      %dma_wait3A_96 = tpu.memref_slice %arg7[%add3A_89, %dma_wait3A_95] : memref<200x128xi32, #tpu.memory_space<vmem>> -> memref<1x128xi32, #tpu.memory_space<vmem>>
      %dma_wait3A_97 = tpu.memref_squeeze %dma_wait3A_96 : memref<1x128xi32, #tpu.memory_space<vmem>> -> memref<128xi32, #tpu.memory_space<vmem>>
      %dma_wait3A_98 = arith.constant 0 : i32
      %dma_wait3A_99 = arith.constant 0 : i32
      %dma_wait3A_100 = tpu.memref_slice %arg13[%dma_wait3A_98, %dma_wait3A_99] : memref<50176x8xf32, #tpu.memory_space<vmem_shared>> -> memref<50176x8xf32, #tpu.memory_space<vmem_shared>>
      %dma_wait3A_101 = tpu.memref_slice %arg11[%dma_wait3A_90] : memref<4x!tpu.dma_semaphore, #tpu.memory_space<semaphore_mem>> -> memref<1x!tpu.dma_semaphore, #tpu.memory_space<semaphore_mem>>
      %dma_wait3A_102 = tpu.memref_squeeze %dma_wait3A_101 : memref<1x!tpu.dma_semaphore, #tpu.memory_space<semaphore_mem>> -> memref<!tpu.dma_semaphore, #tpu.memory_space<semaphore_mem>>
      tpu.wait_indirect_dma semaphore(%dma_wait3A_102 : memref<!tpu.dma_semaphore, #tpu.memory_space<semaphore_mem>>) src(%dma_wait3A_100 : memref<50176x8xf32, #tpu.memory_space<vmem_shared>>) dst(%dma_wait3A_94 : memref<128x8xf32, #tpu.memory_space<vmem>>)
      %run_scoped3A = arith.constant 0 : i32
      "tpu.region"() ({
        %run_scoped3A_179 = tpu.sem_alloc : memref<!tpu.dma_semaphore, #tpu.memory_space<semaphore_mem>>
        %dma_start3A_180 = arith.constant 0 : i32
        %dma_start3A_181 = arith.constant 0 : i32
        %dma_start3A_182 = tpu.memref_slice %arg9[%run_scoped3A, %dma_start3A_180, %dma_start3A_181] : memref<4x128x8xf32, #tpu.memory_space<vmem>> -> memref<1x128x8xf32, #tpu.memory_space<vmem>>
        %dma_start3A_183 = tpu.memref_squeeze %dma_start3A_182 : memref<1x128x8xf32, #tpu.memory_space<vmem>> -> memref<128x8xf32, #tpu.memory_space<vmem>>
        %dma_start3A_184 = arith.constant 0 : i32
        %dma_start3A_185 = tpu.memref_slice %arg8[%add3A_89, %dma_start3A_184] : memref<200x128xi32, #tpu.memory_space<vmem>> -> memref<1x128xi32, #tpu.memory_space<vmem>>
        %dma_start3A_186 = tpu.memref_squeeze %dma_start3A_185 : memref<1x128xi32, #tpu.memory_space<vmem>> -> memref<128xi32, #tpu.memory_space<vmem>>
        %dma_start3A_187 = arith.constant 0 : i32
        %dma_start3A_188 = arith.constant 0 : i32
        %dma_start3A_189 = tpu.memref_slice %arg12[%dma_start3A_187, %dma_start3A_188] : memref<50176x8xf32, #tpu.memory_space<vmem_shared>> -> memref<50176x8xf32, #tpu.memory_space<vmem_shared>>
        tpu.enqueue_indirect_dma source(%dma_start3A_183 : memref<128x8xf32, #tpu.memory_space<vmem>>) target(%dma_start3A_189 : memref<50176x8xf32, #tpu.memory_space<vmem_shared>>) offsets(%dma_start3A_186 : memref<128xi32, #tpu.memory_space<vmem>>) semaphore(%run_scoped3A_179 : memref<!tpu.dma_semaphore, #tpu.memory_space<semaphore_mem>>) {add = true}
        %dma_wait3A_190 = arith.constant 0 : i32
        %dma_wait3A_191 = arith.constant 0 : i32
        %dma_wait3A_192 = tpu.memref_slice %arg9[%run_scoped3A, %dma_wait3A_190, %dma_wait3A_191] : memref<4x128x8xf32, #tpu.memory_space<vmem>> -> memref<1x128x8xf32, #tpu.memory_space<vmem>>
        %dma_wait3A_193 = tpu.memref_squeeze %dma_wait3A_192 : memref<1x128x8xf32, #tpu.memory_space<vmem>> -> memref<128x8xf32, #tpu.memory_space<vmem>>
        %dma_wait3A_194 = arith.constant 0 : i32
        %dma_wait3A_195 = tpu.memref_slice %arg8[%add3A_89, %dma_wait3A_194] : memref<200x128xi32, #tpu.memory_space<vmem>> -> memref<1x128xi32, #tpu.memory_space<vmem>>
        %dma_wait3A_196 = tpu.memref_squeeze %dma_wait3A_195 : memref<1x128xi32, #tpu.memory_space<vmem>> -> memref<128xi32, #tpu.memory_space<vmem>>
        %dma_wait3A_197 = arith.constant 0 : i32
        %dma_wait3A_198 = arith.constant 0 : i32
        %dma_wait3A_199 = tpu.memref_slice %arg12[%dma_wait3A_197, %dma_wait3A_198] : memref<50176x8xf32, #tpu.memory_space<vmem_shared>> -> memref<50176x8xf32, #tpu.memory_space<vmem_shared>>
        tpu.wait_indirect_dma semaphore(%run_scoped3A_179 : memref<!tpu.dma_semaphore, #tpu.memory_space<semaphore_mem>>) src(%dma_wait3A_193 : memref<128x8xf32, #tpu.memory_space<vmem>>) dst(%dma_wait3A_199 : memref<50176x8xf32, #tpu.memory_space<vmem_shared>>)
        tpu.yield
      }) : () -> ()
      %add3A_103 = arith.constant 4 : i32
      %add3A_104 = arith.addi %add3A_89, %add3A_103 : i32
      %lt3A = arith.constant 200 : i32
      %lt3A_105 = arith.cmpi slt, %add3A_104, %lt3A : i32
      %convert_element_type3A = arith.extui %lt3A_105 : i1 to i32
      %cond3A = arith.constant 0 : i32
      %cond3A_106 = arith.cmpi ne, %convert_element_type3A, %cond3A : i32
      scf.if %cond3A_106 {
        %dma_start3A_179 = arith.constant 0 : i32
        %dma_start3A_180 = arith.constant 0 : i32
        %dma_start3A_181 = arith.constant 0 : i32
        %dma_start3A_182 = arith.constant 0 : i32
        %dma_start3A_183 = tpu.memref_slice %arg9[%dma_start3A_179, %dma_start3A_181, %dma_start3A_182] : memref<4x128x8xf32, #tpu.memory_space<vmem>> -> memref<1x128x8xf32, #tpu.memory_space<vmem>>
        %dma_start3A_184 = tpu.memref_squeeze %dma_start3A_183 : memref<1x128x8xf32, #tpu.memory_space<vmem>> -> memref<128x8xf32, #tpu.memory_space<vmem>>
        %dma_start3A_185 = arith.constant 0 : i32
        %dma_start3A_186 = tpu.memref_slice %arg7[%add3A_104, %dma_start3A_185] : memref<200x128xi32, #tpu.memory_space<vmem>> -> memref<1x128xi32, #tpu.memory_space<vmem>>
        %dma_start3A_187 = tpu.memref_squeeze %dma_start3A_186 : memref<1x128xi32, #tpu.memory_space<vmem>> -> memref<128xi32, #tpu.memory_space<vmem>>
        %dma_start3A_188 = arith.constant 0 : i32
        %dma_start3A_189 = arith.constant 0 : i32
        %dma_start3A_190 = tpu.memref_slice %arg13[%dma_start3A_188, %dma_start3A_189] : memref<50176x8xf32, #tpu.memory_space<vmem_shared>> -> memref<50176x8xf32, #tpu.memory_space<vmem_shared>>
        %dma_start3A_191 = tpu.memref_slice %arg11[%dma_start3A_180] : memref<4x!tpu.dma_semaphore, #tpu.memory_space<semaphore_mem>> -> memref<1x!tpu.dma_semaphore, #tpu.memory_space<semaphore_mem>>
        %dma_start3A_192 = tpu.memref_squeeze %dma_start3A_191 : memref<1x!tpu.dma_semaphore, #tpu.memory_space<semaphore_mem>> -> memref<!tpu.dma_semaphore, #tpu.memory_space<semaphore_mem>>
        tpu.enqueue_indirect_dma source(%dma_start3A_190 : memref<50176x8xf32, #tpu.memory_space<vmem_shared>>) target(%dma_start3A_184 : memref<128x8xf32, #tpu.memory_space<vmem>>) offsets(%dma_start3A_187 : memref<128xi32, #tpu.memory_space<vmem>>) semaphore(%dma_start3A_192 : memref<!tpu.dma_semaphore, #tpu.memory_space<semaphore_mem>>)
      } else {
      }
      %add3A_107 = arith.constant 1 : i32
      %add3A_108 = arith.addi %mul3A_87, %add3A_107 : i32
      %dma_wait3A_109 = arith.constant 1 : i32
      %dma_wait3A_110 = arith.constant 1 : i32
      %dma_wait3A_111 = arith.constant 0 : i32
      %dma_wait3A_112 = arith.constant 0 : i32
      %dma_wait3A_113 = tpu.memref_slice %arg9[%dma_wait3A_109, %dma_wait3A_111, %dma_wait3A_112] : memref<4x128x8xf32, #tpu.memory_space<vmem>> -> memref<1x128x8xf32, #tpu.memory_space<vmem>>
      %dma_wait3A_114 = tpu.memref_squeeze %dma_wait3A_113 : memref<1x128x8xf32, #tpu.memory_space<vmem>> -> memref<128x8xf32, #tpu.memory_space<vmem>>
      %dma_wait3A_115 = arith.constant 0 : i32
      %dma_wait3A_116 = tpu.memref_slice %arg7[%add3A_108, %dma_wait3A_115] : memref<200x128xi32, #tpu.memory_space<vmem>> -> memref<1x128xi32, #tpu.memory_space<vmem>>
      %dma_wait3A_117 = tpu.memref_squeeze %dma_wait3A_116 : memref<1x128xi32, #tpu.memory_space<vmem>> -> memref<128xi32, #tpu.memory_space<vmem>>
      %dma_wait3A_118 = arith.constant 0 : i32
      %dma_wait3A_119 = arith.constant 0 : i32
      %dma_wait3A_120 = tpu.memref_slice %arg13[%dma_wait3A_118, %dma_wait3A_119] : memref<50176x8xf32, #tpu.memory_space<vmem_shared>> -> memref<50176x8xf32, #tpu.memory_space<vmem_shared>>
      %dma_wait3A_121 = tpu.memref_slice %arg11[%dma_wait3A_110] : memref<4x!tpu.dma_semaphore, #tpu.memory_space<semaphore_mem>> -> memref<1x!tpu.dma_semaphore, #tpu.memory_space<semaphore_mem>>
      %dma_wait3A_122 = tpu.memref_squeeze %dma_wait3A_121 : memref<1x!tpu.dma_semaphore, #tpu.memory_space<semaphore_mem>> -> memref<!tpu.dma_semaphore, #tpu.memory_space<semaphore_mem>>
      tpu.wait_indirect_dma semaphore(%dma_wait3A_122 : memref<!tpu.dma_semaphore, #tpu.memory_space<semaphore_mem>>) src(%dma_wait3A_120 : memref<50176x8xf32, #tpu.memory_space<vmem_shared>>) dst(%dma_wait3A_114 : memref<128x8xf32, #tpu.memory_space<vmem>>)
      %run_scoped3A_123 = arith.constant 1 : i32
      "tpu.region"() ({
        %run_scoped3A_179 = tpu.sem_alloc : memref<!tpu.dma_semaphore, #tpu.memory_space<semaphore_mem>>
        %dma_start3A_180 = arith.constant 0 : i32
        %dma_start3A_181 = arith.constant 0 : i32
        %dma_start3A_182 = tpu.memref_slice %arg9[%run_scoped3A_123, %dma_start3A_180, %dma_start3A_181] : memref<4x128x8xf32, #tpu.memory_space<vmem>> -> memref<1x128x8xf32, #tpu.memory_space<vmem>>
        %dma_start3A_183 = tpu.memref_squeeze %dma_start3A_182 : memref<1x128x8xf32, #tpu.memory_space<vmem>> -> memref<128x8xf32, #tpu.memory_space<vmem>>
        %dma_start3A_184 = arith.constant 0 : i32
        %dma_start3A_185 = tpu.memref_slice %arg8[%add3A_108, %dma_start3A_184] : memref<200x128xi32, #tpu.memory_space<vmem>> -> memref<1x128xi32, #tpu.memory_space<vmem>>
        %dma_start3A_186 = tpu.memref_squeeze %dma_start3A_185 : memref<1x128xi32, #tpu.memory_space<vmem>> -> memref<128xi32, #tpu.memory_space<vmem>>
        %dma_start3A_187 = arith.constant 0 : i32
        %dma_start3A_188 = arith.constant 0 : i32
        %dma_start3A_189 = tpu.memref_slice %arg12[%dma_start3A_187, %dma_start3A_188] : memref<50176x8xf32, #tpu.memory_space<vmem_shared>> -> memref<50176x8xf32, #tpu.memory_space<vmem_shared>>
        tpu.enqueue_indirect_dma source(%dma_start3A_183 : memref<128x8xf32, #tpu.memory_space<vmem>>) target(%dma_start3A_189 : memref<50176x8xf32, #tpu.memory_space<vmem_shared>>) offsets(%dma_start3A_186 : memref<128xi32, #tpu.memory_space<vmem>>) semaphore(%run_scoped3A_179 : memref<!tpu.dma_semaphore, #tpu.memory_space<semaphore_mem>>) {add = true}
        %dma_wait3A_190 = arith.constant 0 : i32
        %dma_wait3A_191 = arith.constant 0 : i32
        %dma_wait3A_192 = tpu.memref_slice %arg9[%run_scoped3A_123, %dma_wait3A_190, %dma_wait3A_191] : memref<4x128x8xf32, #tpu.memory_space<vmem>> -> memref<1x128x8xf32, #tpu.memory_space<vmem>>
        %dma_wait3A_193 = tpu.memref_squeeze %dma_wait3A_192 : memref<1x128x8xf32, #tpu.memory_space<vmem>> -> memref<128x8xf32, #tpu.memory_space<vmem>>
        %dma_wait3A_194 = arith.constant 0 : i32
        %dma_wait3A_195 = tpu.memref_slice %arg8[%add3A_108, %dma_wait3A_194] : memref<200x128xi32, #tpu.memory_space<vmem>> -> memref<1x128xi32, #tpu.memory_space<vmem>>
        %dma_wait3A_196 = tpu.memref_squeeze %dma_wait3A_195 : memref<1x128xi32, #tpu.memory_space<vmem>> -> memref<128xi32, #tpu.memory_space<vmem>>
        %dma_wait3A_197 = arith.constant 0 : i32
        %dma_wait3A_198 = arith.constant 0 : i32
        %dma_wait3A_199 = tpu.memref_slice %arg12[%dma_wait3A_197, %dma_wait3A_198] : memref<50176x8xf32, #tpu.memory_space<vmem_shared>> -> memref<50176x8xf32, #tpu.memory_space<vmem_shared>>
        tpu.wait_indirect_dma semaphore(%run_scoped3A_179 : memref<!tpu.dma_semaphore, #tpu.memory_space<semaphore_mem>>) src(%dma_wait3A_193 : memref<128x8xf32, #tpu.memory_space<vmem>>) dst(%dma_wait3A_199 : memref<50176x8xf32, #tpu.memory_space<vmem_shared>>)
        tpu.yield
      }) : () -> ()
      %add3A_124 = arith.constant 4 : i32
      %add3A_125 = arith.addi %add3A_108, %add3A_124 : i32
      %lt3A_126 = arith.constant 200 : i32
      %lt3A_127 = arith.cmpi slt, %add3A_125, %lt3A_126 : i32
      %convert_element_type3A_128 = arith.extui %lt3A_127 : i1 to i32
      %cond3A_129 = arith.constant 0 : i32
      %cond3A_130 = arith.cmpi ne, %convert_element_type3A_128, %cond3A_129 : i32
      scf.if %cond3A_130 {
        %dma_start3A_179 = arith.constant 1 : i32
        %dma_start3A_180 = arith.constant 1 : i32
        %dma_start3A_181 = arith.constant 0 : i32
        %dma_start3A_182 = arith.constant 0 : i32
        %dma_start3A_183 = tpu.memref_slice %arg9[%dma_start3A_179, %dma_start3A_181, %dma_start3A_182] : memref<4x128x8xf32, #tpu.memory_space<vmem>> -> memref<1x128x8xf32, #tpu.memory_space<vmem>>
        %dma_start3A_184 = tpu.memref_squeeze %dma_start3A_183 : memref<1x128x8xf32, #tpu.memory_space<vmem>> -> memref<128x8xf32, #tpu.memory_space<vmem>>
        %dma_start3A_185 = arith.constant 0 : i32
        %dma_start3A_186 = tpu.memref_slice %arg7[%add3A_125, %dma_start3A_185] : memref<200x128xi32, #tpu.memory_space<vmem>> -> memref<1x128xi32, #tpu.memory_space<vmem>>
        %dma_start3A_187 = tpu.memref_squeeze %dma_start3A_186 : memref<1x128xi32, #tpu.memory_space<vmem>> -> memref<128xi32, #tpu.memory_space<vmem>>
        %dma_start3A_188 = arith.constant 0 : i32
        %dma_start3A_189 = arith.constant 0 : i32
        %dma_start3A_190 = tpu.memref_slice %arg13[%dma_start3A_188, %dma_start3A_189] : memref<50176x8xf32, #tpu.memory_space<vmem_shared>> -> memref<50176x8xf32, #tpu.memory_space<vmem_shared>>
        %dma_start3A_191 = tpu.memref_slice %arg11[%dma_start3A_180] : memref<4x!tpu.dma_semaphore, #tpu.memory_space<semaphore_mem>> -> memref<1x!tpu.dma_semaphore, #tpu.memory_space<semaphore_mem>>
        %dma_start3A_192 = tpu.memref_squeeze %dma_start3A_191 : memref<1x!tpu.dma_semaphore, #tpu.memory_space<semaphore_mem>> -> memref<!tpu.dma_semaphore, #tpu.memory_space<semaphore_mem>>
        tpu.enqueue_indirect_dma source(%dma_start3A_190 : memref<50176x8xf32, #tpu.memory_space<vmem_shared>>) target(%dma_start3A_184 : memref<128x8xf32, #tpu.memory_space<vmem>>) offsets(%dma_start3A_187 : memref<128xi32, #tpu.memory_space<vmem>>) semaphore(%dma_start3A_192 : memref<!tpu.dma_semaphore, #tpu.memory_space<semaphore_mem>>)
      } else {
      }
      %add3A_131 = arith.constant 2 : i32
      %add3A_132 = arith.addi %mul3A_87, %add3A_131 : i32
      %dma_wait3A_133 = arith.constant 2 : i32
      %dma_wait3A_134 = arith.constant 2 : i32
      %dma_wait3A_135 = arith.constant 0 : i32
      %dma_wait3A_136 = arith.constant 0 : i32
      %dma_wait3A_137 = tpu.memref_slice %arg9[%dma_wait3A_133, %dma_wait3A_135, %dma_wait3A_136] : memref<4x128x8xf32, #tpu.memory_space<vmem>> -> memref<1x128x8xf32, #tpu.memory_space<vmem>>
      %dma_wait3A_138 = tpu.memref_squeeze %dma_wait3A_137 : memref<1x128x8xf32, #tpu.memory_space<vmem>> -> memref<128x8xf32, #tpu.memory_space<vmem>>
      %dma_wait3A_139 = arith.constant 0 : i32
      %dma_wait3A_140 = tpu.memref_slice %arg7[%add3A_132, %dma_wait3A_139] : memref<200x128xi32, #tpu.memory_space<vmem>> -> memref<1x128xi32, #tpu.memory_space<vmem>>
      %dma_wait3A_141 = tpu.memref_squeeze %dma_wait3A_140 : memref<1x128xi32, #tpu.memory_space<vmem>> -> memref<128xi32, #tpu.memory_space<vmem>>
      %dma_wait3A_142 = arith.constant 0 : i32
      %dma_wait3A_143 = arith.constant 0 : i32
      %dma_wait3A_144 = tpu.memref_slice %arg13[%dma_wait3A_142, %dma_wait3A_143] : memref<50176x8xf32, #tpu.memory_space<vmem_shared>> -> memref<50176x8xf32, #tpu.memory_space<vmem_shared>>
      %dma_wait3A_145 = tpu.memref_slice %arg11[%dma_wait3A_134] : memref<4x!tpu.dma_semaphore, #tpu.memory_space<semaphore_mem>> -> memref<1x!tpu.dma_semaphore, #tpu.memory_space<semaphore_mem>>
      %dma_wait3A_146 = tpu.memref_squeeze %dma_wait3A_145 : memref<1x!tpu.dma_semaphore, #tpu.memory_space<semaphore_mem>> -> memref<!tpu.dma_semaphore, #tpu.memory_space<semaphore_mem>>
      tpu.wait_indirect_dma semaphore(%dma_wait3A_146 : memref<!tpu.dma_semaphore, #tpu.memory_space<semaphore_mem>>) src(%dma_wait3A_144 : memref<50176x8xf32, #tpu.memory_space<vmem_shared>>) dst(%dma_wait3A_138 : memref<128x8xf32, #tpu.memory_space<vmem>>)
      %run_scoped3A_147 = arith.constant 2 : i32
      "tpu.region"() ({
        %run_scoped3A_179 = tpu.sem_alloc : memref<!tpu.dma_semaphore, #tpu.memory_space<semaphore_mem>>
        %dma_start3A_180 = arith.constant 0 : i32
        %dma_start3A_181 = arith.constant 0 : i32
        %dma_start3A_182 = tpu.memref_slice %arg9[%run_scoped3A_147, %dma_start3A_180, %dma_start3A_181] : memref<4x128x8xf32, #tpu.memory_space<vmem>> -> memref<1x128x8xf32, #tpu.memory_space<vmem>>
        %dma_start3A_183 = tpu.memref_squeeze %dma_start3A_182 : memref<1x128x8xf32, #tpu.memory_space<vmem>> -> memref<128x8xf32, #tpu.memory_space<vmem>>
        %dma_start3A_184 = arith.constant 0 : i32
        %dma_start3A_185 = tpu.memref_slice %arg8[%add3A_132, %dma_start3A_184] : memref<200x128xi32, #tpu.memory_space<vmem>> -> memref<1x128xi32, #tpu.memory_space<vmem>>
        %dma_start3A_186 = tpu.memref_squeeze %dma_start3A_185 : memref<1x128xi32, #tpu.memory_space<vmem>> -> memref<128xi32, #tpu.memory_space<vmem>>
        %dma_start3A_187 = arith.constant 0 : i32
        %dma_start3A_188 = arith.constant 0 : i32
        %dma_start3A_189 = tpu.memref_slice %arg12[%dma_start3A_187, %dma_start3A_188] : memref<50176x8xf32, #tpu.memory_space<vmem_shared>> -> memref<50176x8xf32, #tpu.memory_space<vmem_shared>>
        tpu.enqueue_indirect_dma source(%dma_start3A_183 : memref<128x8xf32, #tpu.memory_space<vmem>>) target(%dma_start3A_189 : memref<50176x8xf32, #tpu.memory_space<vmem_shared>>) offsets(%dma_start3A_186 : memref<128xi32, #tpu.memory_space<vmem>>) semaphore(%run_scoped3A_179 : memref<!tpu.dma_semaphore, #tpu.memory_space<semaphore_mem>>) {add = true}
        %dma_wait3A_190 = arith.constant 0 : i32
        %dma_wait3A_191 = arith.constant 0 : i32
        %dma_wait3A_192 = tpu.memref_slice %arg9[%run_scoped3A_147, %dma_wait3A_190, %dma_wait3A_191] : memref<4x128x8xf32, #tpu.memory_space<vmem>> -> memref<1x128x8xf32, #tpu.memory_space<vmem>>
        %dma_wait3A_193 = tpu.memref_squeeze %dma_wait3A_192 : memref<1x128x8xf32, #tpu.memory_space<vmem>> -> memref<128x8xf32, #tpu.memory_space<vmem>>
        %dma_wait3A_194 = arith.constant 0 : i32
        %dma_wait3A_195 = tpu.memref_slice %arg8[%add3A_132, %dma_wait3A_194] : memref<200x128xi32, #tpu.memory_space<vmem>> -> memref<1x128xi32, #tpu.memory_space<vmem>>
        %dma_wait3A_196 = tpu.memref_squeeze %dma_wait3A_195 : memref<1x128xi32, #tpu.memory_space<vmem>> -> memref<128xi32, #tpu.memory_space<vmem>>
        %dma_wait3A_197 = arith.constant 0 : i32
        %dma_wait3A_198 = arith.constant 0 : i32
        %dma_wait3A_199 = tpu.memref_slice %arg12[%dma_wait3A_197, %dma_wait3A_198] : memref<50176x8xf32, #tpu.memory_space<vmem_shared>> -> memref<50176x8xf32, #tpu.memory_space<vmem_shared>>
        tpu.wait_indirect_dma semaphore(%run_scoped3A_179 : memref<!tpu.dma_semaphore, #tpu.memory_space<semaphore_mem>>) src(%dma_wait3A_193 : memref<128x8xf32, #tpu.memory_space<vmem>>) dst(%dma_wait3A_199 : memref<50176x8xf32, #tpu.memory_space<vmem_shared>>)
        tpu.yield
      }) : () -> ()
      %add3A_148 = arith.constant 4 : i32
      %add3A_149 = arith.addi %add3A_132, %add3A_148 : i32
      %lt3A_150 = arith.constant 200 : i32
      %lt3A_151 = arith.cmpi slt, %add3A_149, %lt3A_150 : i32
      %convert_element_type3A_152 = arith.extui %lt3A_151 : i1 to i32
      %cond3A_153 = arith.constant 0 : i32
      %cond3A_154 = arith.cmpi ne, %convert_element_type3A_152, %cond3A_153 : i32
      scf.if %cond3A_154 {
        %dma_start3A_179 = arith.constant 2 : i32
        %dma_start3A_180 = arith.constant 2 : i32
        %dma_start3A_181 = arith.constant 0 : i32
        %dma_start3A_182 = arith.constant 0 : i32
        %dma_start3A_183 = tpu.memref_slice %arg9[%dma_start3A_179, %dma_start3A_181, %dma_start3A_182] : memref<4x128x8xf32, #tpu.memory_space<vmem>> -> memref<1x128x8xf32, #tpu.memory_space<vmem>>
        %dma_start3A_184 = tpu.memref_squeeze %dma_start3A_183 : memref<1x128x8xf32, #tpu.memory_space<vmem>> -> memref<128x8xf32, #tpu.memory_space<vmem>>
        %dma_start3A_185 = arith.constant 0 : i32
        %dma_start3A_186 = tpu.memref_slice %arg7[%add3A_149, %dma_start3A_185] : memref<200x128xi32, #tpu.memory_space<vmem>> -> memref<1x128xi32, #tpu.memory_space<vmem>>
        %dma_start3A_187 = tpu.memref_squeeze %dma_start3A_186 : memref<1x128xi32, #tpu.memory_space<vmem>> -> memref<128xi32, #tpu.memory_space<vmem>>
        %dma_start3A_188 = arith.constant 0 : i32
        %dma_start3A_189 = arith.constant 0 : i32
        %dma_start3A_190 = tpu.memref_slice %arg13[%dma_start3A_188, %dma_start3A_189] : memref<50176x8xf32, #tpu.memory_space<vmem_shared>> -> memref<50176x8xf32, #tpu.memory_space<vmem_shared>>
        %dma_start3A_191 = tpu.memref_slice %arg11[%dma_start3A_180] : memref<4x!tpu.dma_semaphore, #tpu.memory_space<semaphore_mem>> -> memref<1x!tpu.dma_semaphore, #tpu.memory_space<semaphore_mem>>
        %dma_start3A_192 = tpu.memref_squeeze %dma_start3A_191 : memref<1x!tpu.dma_semaphore, #tpu.memory_space<semaphore_mem>> -> memref<!tpu.dma_semaphore, #tpu.memory_space<semaphore_mem>>
        tpu.enqueue_indirect_dma source(%dma_start3A_190 : memref<50176x8xf32, #tpu.memory_space<vmem_shared>>) target(%dma_start3A_184 : memref<128x8xf32, #tpu.memory_space<vmem>>) offsets(%dma_start3A_187 : memref<128xi32, #tpu.memory_space<vmem>>) semaphore(%dma_start3A_192 : memref<!tpu.dma_semaphore, #tpu.memory_space<semaphore_mem>>)
      } else {
      }
      %add3A_155 = arith.constant 3 : i32
      %add3A_156 = arith.addi %mul3A_87, %add3A_155 : i32
      %dma_wait3A_157 = arith.constant 3 : i32
      %dma_wait3A_158 = arith.constant 3 : i32
      %dma_wait3A_159 = arith.constant 0 : i32
      %dma_wait3A_160 = arith.constant 0 : i32
      %dma_wait3A_161 = tpu.memref_slice %arg9[%dma_wait3A_157, %dma_wait3A_159, %dma_wait3A_160] : memref<4x128x8xf32, #tpu.memory_space<vmem>> -> memref<1x128x8xf32, #tpu.memory_space<vmem>>
      %dma_wait3A_162 = tpu.memref_squeeze %dma_wait3A_161 : memref<1x128x8xf32, #tpu.memory_space<vmem>> -> memref<128x8xf32, #tpu.memory_space<vmem>>
      %dma_wait3A_163 = arith.constant 0 : i32
      %dma_wait3A_164 = tpu.memref_slice %arg7[%add3A_156, %dma_wait3A_163] : memref<200x128xi32, #tpu.memory_space<vmem>> -> memref<1x128xi32, #tpu.memory_space<vmem>>
      %dma_wait3A_165 = tpu.memref_squeeze %dma_wait3A_164 : memref<1x128xi32, #tpu.memory_space<vmem>> -> memref<128xi32, #tpu.memory_space<vmem>>
      %dma_wait3A_166 = arith.constant 0 : i32
      %dma_wait3A_167 = arith.constant 0 : i32
      %dma_wait3A_168 = tpu.memref_slice %arg13[%dma_wait3A_166, %dma_wait3A_167] : memref<50176x8xf32, #tpu.memory_space<vmem_shared>> -> memref<50176x8xf32, #tpu.memory_space<vmem_shared>>
      %dma_wait3A_169 = tpu.memref_slice %arg11[%dma_wait3A_158] : memref<4x!tpu.dma_semaphore, #tpu.memory_space<semaphore_mem>> -> memref<1x!tpu.dma_semaphore, #tpu.memory_space<semaphore_mem>>
      %dma_wait3A_170 = tpu.memref_squeeze %dma_wait3A_169 : memref<1x!tpu.dma_semaphore, #tpu.memory_space<semaphore_mem>> -> memref<!tpu.dma_semaphore, #tpu.memory_space<semaphore_mem>>
      tpu.wait_indirect_dma semaphore(%dma_wait3A_170 : memref<!tpu.dma_semaphore, #tpu.memory_space<semaphore_mem>>) src(%dma_wait3A_168 : memref<50176x8xf32, #tpu.memory_space<vmem_shared>>) dst(%dma_wait3A_162 : memref<128x8xf32, #tpu.memory_space<vmem>>)
      %run_scoped3A_171 = arith.constant 3 : i32
      "tpu.region"() ({
        %run_scoped3A_179 = tpu.sem_alloc : memref<!tpu.dma_semaphore, #tpu.memory_space<semaphore_mem>>
        %dma_start3A_180 = arith.constant 0 : i32
        %dma_start3A_181 = arith.constant 0 : i32
        %dma_start3A_182 = tpu.memref_slice %arg9[%run_scoped3A_171, %dma_start3A_180, %dma_start3A_181] : memref<4x128x8xf32, #tpu.memory_space<vmem>> -> memref<1x128x8xf32, #tpu.memory_space<vmem>>
        %dma_start3A_183 = tpu.memref_squeeze %dma_start3A_182 : memref<1x128x8xf32, #tpu.memory_space<vmem>> -> memref<128x8xf32, #tpu.memory_space<vmem>>
        %dma_start3A_184 = arith.constant 0 : i32
        %dma_start3A_185 = tpu.memref_slice %arg8[%add3A_156, %dma_start3A_184] : memref<200x128xi32, #tpu.memory_space<vmem>> -> memref<1x128xi32, #tpu.memory_space<vmem>>
        %dma_start3A_186 = tpu.memref_squeeze %dma_start3A_185 : memref<1x128xi32, #tpu.memory_space<vmem>> -> memref<128xi32, #tpu.memory_space<vmem>>
        %dma_start3A_187 = arith.constant 0 : i32
        %dma_start3A_188 = arith.constant 0 : i32
        %dma_start3A_189 = tpu.memref_slice %arg12[%dma_start3A_187, %dma_start3A_188] : memref<50176x8xf32, #tpu.memory_space<vmem_shared>> -> memref<50176x8xf32, #tpu.memory_space<vmem_shared>>
        tpu.enqueue_indirect_dma source(%dma_start3A_183 : memref<128x8xf32, #tpu.memory_space<vmem>>) target(%dma_start3A_189 : memref<50176x8xf32, #tpu.memory_space<vmem_shared>>) offsets(%dma_start3A_186 : memref<128xi32, #tpu.memory_space<vmem>>) semaphore(%run_scoped3A_179 : memref<!tpu.dma_semaphore, #tpu.memory_space<semaphore_mem>>) {add = true}
        %dma_wait3A_190 = arith.constant 0 : i32
        %dma_wait3A_191 = arith.constant 0 : i32
        %dma_wait3A_192 = tpu.memref_slice %arg9[%run_scoped3A_171, %dma_wait3A_190, %dma_wait3A_191] : memref<4x128x8xf32, #tpu.memory_space<vmem>> -> memref<1x128x8xf32, #tpu.memory_space<vmem>>
        %dma_wait3A_193 = tpu.memref_squeeze %dma_wait3A_192 : memref<1x128x8xf32, #tpu.memory_space<vmem>> -> memref<128x8xf32, #tpu.memory_space<vmem>>
        %dma_wait3A_194 = arith.constant 0 : i32
        %dma_wait3A_195 = tpu.memref_slice %arg8[%add3A_156, %dma_wait3A_194] : memref<200x128xi32, #tpu.memory_space<vmem>> -> memref<1x128xi32, #tpu.memory_space<vmem>>
        %dma_wait3A_196 = tpu.memref_squeeze %dma_wait3A_195 : memref<1x128xi32, #tpu.memory_space<vmem>> -> memref<128xi32, #tpu.memory_space<vmem>>
        %dma_wait3A_197 = arith.constant 0 : i32
        %dma_wait3A_198 = arith.constant 0 : i32
        %dma_wait3A_199 = tpu.memref_slice %arg12[%dma_wait3A_197, %dma_wait3A_198] : memref<50176x8xf32, #tpu.memory_space<vmem_shared>> -> memref<50176x8xf32, #tpu.memory_space<vmem_shared>>
        tpu.wait_indirect_dma semaphore(%run_scoped3A_179 : memref<!tpu.dma_semaphore, #tpu.memory_space<semaphore_mem>>) src(%dma_wait3A_193 : memref<128x8xf32, #tpu.memory_space<vmem>>) dst(%dma_wait3A_199 : memref<50176x8xf32, #tpu.memory_space<vmem_shared>>)
        tpu.yield
      }) : () -> ()
      %add3A_172 = arith.constant 4 : i32
      %add3A_173 = arith.addi %add3A_156, %add3A_172 : i32
      %lt3A_174 = arith.constant 200 : i32
      %lt3A_175 = arith.cmpi slt, %add3A_173, %lt3A_174 : i32
      %convert_element_type3A_176 = arith.extui %lt3A_175 : i1 to i32
      %cond3A_177 = arith.constant 0 : i32
      %cond3A_178 = arith.cmpi ne, %convert_element_type3A_176, %cond3A_177 : i32
      scf.if %cond3A_178 {
        %dma_start3A_179 = arith.constant 3 : i32
        %dma_start3A_180 = arith.constant 3 : i32
        %dma_start3A_181 = arith.constant 0 : i32
        %dma_start3A_182 = arith.constant 0 : i32
        %dma_start3A_183 = tpu.memref_slice %arg9[%dma_start3A_179, %dma_start3A_181, %dma_start3A_182] : memref<4x128x8xf32, #tpu.memory_space<vmem>> -> memref<1x128x8xf32, #tpu.memory_space<vmem>>
        %dma_start3A_184 = tpu.memref_squeeze %dma_start3A_183 : memref<1x128x8xf32, #tpu.memory_space<vmem>> -> memref<128x8xf32, #tpu.memory_space<vmem>>
        %dma_start3A_185 = arith.constant 0 : i32
        %dma_start3A_186 = tpu.memref_slice %arg7[%add3A_173, %dma_start3A_185] : memref<200x128xi32, #tpu.memory_space<vmem>> -> memref<1x128xi32, #tpu.memory_space<vmem>>
        %dma_start3A_187 = tpu.memref_squeeze %dma_start3A_186 : memref<1x128xi32, #tpu.memory_space<vmem>> -> memref<128xi32, #tpu.memory_space<vmem>>
        %dma_start3A_188 = arith.constant 0 : i32
        %dma_start3A_189 = arith.constant 0 : i32
        %dma_start3A_190 = tpu.memref_slice %arg13[%dma_start3A_188, %dma_start3A_189] : memref<50176x8xf32, #tpu.memory_space<vmem_shared>> -> memref<50176x8xf32, #tpu.memory_space<vmem_shared>>
        %dma_start3A_191 = tpu.memref_slice %arg11[%dma_start3A_180] : memref<4x!tpu.dma_semaphore, #tpu.memory_space<semaphore_mem>> -> memref<1x!tpu.dma_semaphore, #tpu.memory_space<semaphore_mem>>
        %dma_start3A_192 = tpu.memref_squeeze %dma_start3A_191 : memref<1x!tpu.dma_semaphore, #tpu.memory_space<semaphore_mem>> -> memref<!tpu.dma_semaphore, #tpu.memory_space<semaphore_mem>>
        tpu.enqueue_indirect_dma source(%dma_start3A_190 : memref<50176x8xf32, #tpu.memory_space<vmem_shared>>) target(%dma_start3A_184 : memref<128x8xf32, #tpu.memory_space<vmem>>) offsets(%dma_start3A_187 : memref<128xi32, #tpu.memory_space<vmem>>) semaphore(%dma_start3A_192 : memref<!tpu.dma_semaphore, #tpu.memory_space<semaphore_mem>>)
      } else {
      }
    }
    %scan3A_76 = arith.constant 50 : i32
    %barrier3A_77 = arith.constant 0 : index
    tpu.barrier barrier_id(%barrier3A_77)
    %mul3A_78 = arith.constant 3136 : i32
    %mul3A_79 = arith.muli %arg1, %mul3A_78 : i32
    "tpu.region"() ({
      %run_scoped3A = tpu.sem_alloc : memref<!tpu.dma_semaphore, #tpu.memory_space<semaphore_mem>>
      %dma_start3A_85 = arith.constant 0 : i32
      %dma_start3A_86 = tpu.memref_slice %arg12[%mul3A_79, %dma_start3A_85] : memref<50176x8xf32, #tpu.memory_space<vmem_shared>> -> memref<3136x8xf32, #tpu.memory_space<vmem_shared>>
      %dma_start3A_87 = arith.constant 0 : i32
      %dma_start3A_88 = tpu.memref_slice %arg12[%mul3A_79, %dma_start3A_87] : memref<50176x8xf32, #tpu.memory_space<vmem_shared>> -> memref<3136x8xf32, #tpu.memory_space<vmem_shared>>
      tpu.enqueue_dma source(%dma_start3A_88 : memref<3136x8xf32, #tpu.memory_space<vmem_shared>>) target(%arg10 : memref<3136x8xf32, #tpu.memory_space<vmem>>) target_semaphore(%run_scoped3A : memref<!tpu.dma_semaphore, #tpu.memory_space<semaphore_mem>>)
      %dma_wait3A = arith.constant 0 : i32
      %dma_wait3A_89 = tpu.memref_slice %arg12[%mul3A_79, %dma_wait3A] : memref<50176x8xf32, #tpu.memory_space<vmem_shared>> -> memref<3136x8xf32, #tpu.memory_space<vmem_shared>>
      %dma_wait3A_90 = arith.constant 0 : i32
      %dma_wait3A_91 = tpu.memref_slice %arg12[%mul3A_79, %dma_wait3A_90] : memref<50176x8xf32, #tpu.memory_space<vmem_shared>> -> memref<3136x8xf32, #tpu.memory_space<vmem_shared>>
      tpu.wait_dma2 semaphore(%run_scoped3A : memref<!tpu.dma_semaphore, #tpu.memory_space<semaphore_mem>>) src(%dma_wait3A_91 : memref<3136x8xf32, #tpu.memory_space<vmem_shared>>) dst(%arg10 : memref<3136x8xf32, #tpu.memory_space<vmem>>)
      tpu.yield
    }) : () -> ()
    %mul3A_80 = arith.constant 50176 : i32
    %mul3A_81 = arith.muli %arg0, %mul3A_80 : i32
    %mul3A_82 = arith.constant 3136 : i32
    %mul3A_83 = arith.muli %arg1, %mul3A_82 : i32
    %add3A_84 = arith.addi %mul3A_81, %mul3A_83 : i32
    "tpu.region"() ({
      %run_scoped3A = tpu.sem_alloc : memref<!tpu.dma_semaphore, #tpu.memory_space<semaphore_mem>>
      %dma_start3A_85 = arith.constant 0 : i32
      %dma_start3A_86 = tpu.memref_slice %arg6[%add3A_84, %dma_start3A_85] : memref<100352x8xf32, #tpu.memory_space<hbm>> -> memref<3136x8xf32, #tpu.memory_space<hbm>>
      %dma_start3A_87 = arith.constant 0 : i32
      %dma_start3A_88 = tpu.memref_slice %arg6[%add3A_84, %dma_start3A_87] : memref<100352x8xf32, #tpu.memory_space<hbm>> -> memref<3136x8xf32, #tpu.memory_space<hbm>>
      tpu.enqueue_dma source(%arg10 : memref<3136x8xf32, #tpu.memory_space<vmem>>) target(%dma_start3A_88 : memref<3136x8xf32, #tpu.memory_space<hbm>>) target_semaphore(%run_scoped3A : memref<!tpu.dma_semaphore, #tpu.memory_space<semaphore_mem>>)
      %dma_wait3A = arith.constant 0 : i32
      %dma_wait3A_89 = tpu.memref_slice %arg6[%add3A_84, %dma_wait3A] : memref<100352x8xf32, #tpu.memory_space<hbm>> -> memref<3136x8xf32, #tpu.memory_space<hbm>>
      %dma_wait3A_90 = arith.constant 0 : i32
      %dma_wait3A_91 = tpu.memref_slice %arg6[%add3A_84, %dma_wait3A_90] : memref<100352x8xf32, #tpu.memory_space<hbm>> -> memref<3136x8xf32, #tpu.memory_space<hbm>>
      tpu.wait_dma2 semaphore(%run_scoped3A : memref<!tpu.dma_semaphore, #tpu.memory_space<semaphore_mem>>) src(%arg10 : memref<3136x8xf32, #tpu.memory_space<vmem>>) dst(%dma_wait3A_91 : memref<3136x8xf32, #tpu.memory_space<hbm>>)
      tpu.yield
    }) : () -> ()
    return
  }
}

module attributes {stable_mosaic.version = 14 : i64} {
  func.func @body(%arg0: i32, %arg1: memref<3584x1xf32, #tpu.memory_space<vmem>>, %arg2: memref<3584x1xf32, #tpu.memory_space<vmem>>, %arg3: memref<3584x8xf32, #tpu.memory_space<vmem>>, %arg4: memref<3584x1xf32, #tpu.memory_space<vmem>>, %arg5: memref<3584x8xf32, #tpu.memory_space<vmem>>) attributes {dimension_semantics = [#tpu.dimension_semantics<arbitrary>], iteration_bounds = array<i64: 14>, scalar_prefetch = 0 : i64, scratch_operands = 0 : i64, tpu.core_type = #tpu.core_type<tc>, window_params = [{transform_indices = @transform_0, window_bounds = array<i64: 3584, 1>}, {transform_indices = @transform_1, window_bounds = array<i64: 3584, 1>}, {transform_indices = @transform_2, window_bounds = array<i64: 3584, 8>}, {transform_indices = @transform_3, window_bounds = array<i64: 3584, 1>}, {transform_indices = @transform_4, window_bounds = array<i64: 3584, 8>}]} {
    %get3A = arith.constant 0 : index
    %get3A_0 = arith.constant 0 : index
    %get3A_1 = vector.load %arg1[%get3A, %get3A_0] : memref<3584x1xf32, #tpu.memory_space<vmem>>, vector<3584x1xf32>
    %get3A_2 = arith.constant 0 : index
    %get3A_3 = arith.constant 0 : index
    %get3A_4 = vector.load %arg2[%get3A_2, %get3A_3] : memref<3584x1xf32, #tpu.memory_space<vmem>>, vector<3584x1xf32>
    %add3A = arith.addf %get3A_1, %get3A_4 : vector<3584x1xf32>
    %add3A_5 = arith.constant 1.000000e+00 : f32
    %add3A_6 = vector.broadcast %add3A_5 : f32 to vector<3584x1xf32>
    %add3A_7 = arith.addf %add3A, %add3A_6 : vector<3584x1xf32>
    %rsqrt3A = math.rsqrt %add3A_7 : vector<3584x1xf32>
    %swap3A = arith.constant 0 : index
    %swap3A_8 = arith.constant 0 : index
    %swap3A_9 = vector.load %arg4[%swap3A, %swap3A_8] : memref<3584x1xf32, #tpu.memory_space<vmem>>, vector<3584x1xf32>
    tpu.vector_store %arg4[%swap3A, %swap3A_8], %rsqrt3A {strides = array<i32>} : memref<3584x1xf32, #tpu.memory_space<vmem>>, vector<3584x1xf32>,
    %get3A_10 = arith.constant 0 : index
    %get3A_11 = arith.constant 0 : index
    %get3A_12 = vector.load %arg3[%get3A_10, %get3A_11] : memref<3584x8xf32, #tpu.memory_space<vmem>>, vector<3584x8xf32>
    %mul3A = vector.broadcast %rsqrt3A : vector<3584x1xf32> to vector<3584x8xf32>
    %mul3A_13 = arith.mulf %get3A_12, %mul3A : vector<3584x8xf32>
    %swap3A_14 = arith.constant 0 : index
    %swap3A_15 = arith.constant 0 : index
    %swap3A_16 = vector.load %arg5[%swap3A_14, %swap3A_15] : memref<3584x8xf32, #tpu.memory_space<vmem>>, vector<3584x8xf32>
    tpu.vector_store %arg5[%swap3A_14, %swap3A_15], %mul3A_13 {strides = array<i32>} : memref<3584x8xf32, #tpu.memory_space<vmem>>, vector<3584x8xf32>,
    return
  }
  func.func @transform_0(%arg0: i32) -> (i32, i32) {
    %c0_i32 = arith.constant 0 : i32
    %c0_i32_0 = arith.constant 0 : i32
    return %arg0, %c0_i32 : i32, i32
  }
  func.func @transform_1(%arg0: i32) -> (i32, i32) {
    %c0_i32 = arith.constant 0 : i32
    %c0_i32_0 = arith.constant 0 : i32
    return %arg0, %c0_i32 : i32, i32
  }
  func.func @transform_2(%arg0: i32) -> (i32, i32) {
    %c0_i32 = arith.constant 0 : i32
    %c0_i32_0 = arith.constant 0 : i32
    return %arg0, %c0_i32 : i32, i32
  }
  func.func @transform_3(%arg0: i32) -> (i32, i32) {
    %c0_i32 = arith.constant 0 : i32
    %c0_i32_0 = arith.constant 0 : i32
    return %arg0, %c0_i32 : i32, i32
  }
  func.func @transform_4(%arg0: i32) -> (i32, i32) {
    %c0_i32 = arith.constant 0 : i32
    %c0_i32_0 = arith.constant 0 : i32
    return %arg0, %c0_i32 : i32, i32
  }
}

module attributes {stable_mosaic.version = 14 : i64} {
  func.func @body(%arg0: i32, %arg1: memref<3584x8xf32, #tpu.memory_space<vmem>>, %arg2: memref<3584x8xf32, #tpu.memory_space<vmem>>, %arg3: memref<3584x8xf32, #tpu.memory_space<vmem>>, %arg4: memref<3584x1xf32, #tpu.memory_space<vmem>>, %arg5: memref<8x128xf32, #tpu.memory_space<vmem>>, %arg6: memref<1x128xf32, #tpu.memory_space<vmem>>, %arg7: memref<128x8xf32, #tpu.memory_space<vmem>>, %arg8: memref<3584x8xf32, #tpu.memory_space<vmem>>) attributes {dimension_semantics = [#tpu.dimension_semantics<arbitrary>], iteration_bounds = array<i64: 14>, scalar_prefetch = 0 : i64, scratch_operands = 0 : i64, tpu.core_type = #tpu.core_type<tc>, window_params = [{transform_indices = @transform_0, window_bounds = array<i64: 3584, 8>}, {transform_indices = @transform_1, window_bounds = array<i64: 3584, 8>}, {transform_indices = @transform_2, window_bounds = array<i64: 3584, 8>}, {transform_indices = @transform_3, window_bounds = array<i64: 3584, 1>}, {pipeline_mode = #tpu.pipeline_mode<synchronous>, transform_indices = @transform_4, window_bounds = array<i64: 8, 128>}, {pipeline_mode = #tpu.pipeline_mode<synchronous>, transform_indices = @transform_5, window_bounds = array<i64: 1, 128>}, {pipeline_mode = #tpu.pipeline_mode<synchronous>, transform_indices = @transform_6, window_bounds = array<i64: 128, 8>}, {transform_indices = @transform_7, window_bounds = array<i64: 3584, 8>}]} {
    %get3A = arith.constant 0 : index
    %get3A_0 = arith.constant 0 : index
    %get3A_1 = vector.load %arg1[%get3A, %get3A_0] : memref<3584x8xf32, #tpu.memory_space<vmem>>, vector<3584x8xf32>
    %get3A_2 = arith.constant 0 : index
    %get3A_3 = arith.constant 0 : index
    %get3A_4 = vector.load %arg2[%get3A_2, %get3A_3] : memref<3584x8xf32, #tpu.memory_space<vmem>>, vector<3584x8xf32>
    %add3A = arith.addf %get3A_1, %get3A_4 : vector<3584x8xf32>
    %get3A_5 = arith.constant 0 : index
    %get3A_6 = arith.constant 0 : index
    %get3A_7 = vector.load %arg3[%get3A_5, %get3A_6] : memref<3584x8xf32, #tpu.memory_space<vmem>>, vector<3584x8xf32>
    %add3A_8 = arith.addf %add3A, %get3A_7 : vector<3584x8xf32>
    %get3A_9 = arith.constant 0 : index
    %get3A_10 = arith.constant 0 : index
    %get3A_11 = vector.load %arg4[%get3A_9, %get3A_10] : memref<3584x1xf32, #tpu.memory_space<vmem>>, vector<3584x1xf32>
    %mul3A = vector.broadcast %get3A_11 : vector<3584x1xf32> to vector<3584x8xf32>
    %mul3A_12 = arith.mulf %add3A_8, %mul3A : vector<3584x8xf32>
    %get3A_13 = arith.constant 0 : index
    %get3A_14 = arith.constant 0 : index
    %get3A_15 = vector.load %arg5[%get3A_13, %get3A_14] : memref<8x128xf32, #tpu.memory_space<vmem>>, vector<8x128xf32>
    %dot_general3A = arith.constant dense<0.000000e+00> : vector<3584x128xf32>
    %dot_general3A_16 = tpu.matmul %mul3A_12, %get3A_15, %dot_general3A {dimension_numbers = #tpu.dot_dimension_numbers<[1], [0], [0], [1], [0, 0, 1, 1], [], []>, transpose_lhs_hint = false} : vector<3584x8xf32>, vector<8x128xf32>, vector<3584x128xf32> -> vector<3584x128xf32>
    %get3A_17 = arith.constant 0 : index
    %get3A_18 = arith.constant 0 : index
    %get3A_19 = vector.load %arg6[%get3A_17, %get3A_18] : memref<1x128xf32, #tpu.memory_space<vmem>>, vector<1x128xf32>
    %add3A_20 = vector.broadcast %get3A_19 : vector<1x128xf32> to vector<3584x128xf32>
    %add3A_21 = arith.addf %dot_general3A_16, %add3A_20 : vector<3584x128xf32>
    %max3A = arith.constant 0.000000e+00 : f32
    %max3A_22 = vector.broadcast %max3A : f32 to vector<3584x128xf32>
    %max3A_23 = arith.maximumf %add3A_21, %max3A_22 : vector<3584x128xf32>
    %get3A_24 = arith.constant 0 : index
    %get3A_25 = arith.constant 0 : index
    %get3A_26 = vector.load %arg7[%get3A_24, %get3A_25] : memref<128x8xf32, #tpu.memory_space<vmem>>, vector<128x8xf32>
    %dot_general3A_27 = arith.constant dense<0.000000e+00> : vector<3584x8xf32>
    %dot_general3A_28 = tpu.matmul %max3A_23, %get3A_26, %dot_general3A_27 {dimension_numbers = #tpu.dot_dimension_numbers<[1], [0], [0], [1], [0, 0, 1, 1], [], []>, transpose_lhs_hint = false} : vector<3584x128xf32>, vector<128x8xf32>, vector<3584x8xf32> -> vector<3584x8xf32>
    %get3A_29 = arith.constant 0 : index
    %get3A_30 = arith.constant 0 : index
    %get3A_31 = vector.load %arg4[%get3A_29, %get3A_30] : memref<3584x1xf32, #tpu.memory_space<vmem>>, vector<3584x1xf32>
    %mul3A_32 = vector.broadcast %get3A_31 : vector<3584x1xf32> to vector<3584x8xf32>
    %mul3A_33 = arith.mulf %dot_general3A_28, %mul3A_32 : vector<3584x8xf32>
    %swap3A = arith.constant 0 : index
    %swap3A_34 = arith.constant 0 : index
    %swap3A_35 = vector.load %arg8[%swap3A, %swap3A_34] : memref<3584x8xf32, #tpu.memory_space<vmem>>, vector<3584x8xf32>
    tpu.vector_store %arg8[%swap3A, %swap3A_34], %mul3A_33 {strides = array<i32>} : memref<3584x8xf32, #tpu.memory_space<vmem>>, vector<3584x8xf32>,
    return
  }
  func.func @transform_0(%arg0: i32) -> (i32, i32) {
    %c0_i32 = arith.constant 0 : i32
    %c0_i32_0 = arith.constant 0 : i32
    return %arg0, %c0_i32 : i32, i32
  }
  func.func @transform_1(%arg0: i32) -> (i32, i32) {
    %c0_i32 = arith.constant 0 : i32
    %c0_i32_0 = arith.constant 0 : i32
    return %arg0, %c0_i32 : i32, i32
  }
  func.func @transform_2(%arg0: i32) -> (i32, i32) {
    %c0_i32 = arith.constant 0 : i32
    %c0_i32_0 = arith.constant 0 : i32
    return %arg0, %c0_i32 : i32, i32
  }
  func.func @transform_3(%arg0: i32) -> (i32, i32) {
    %c0_i32 = arith.constant 0 : i32
    %c0_i32_0 = arith.constant 0 : i32
    return %arg0, %c0_i32 : i32, i32
  }
  func.func @transform_4(%arg0: i32) -> (i32, i32) {
    %c0_i32 = arith.constant 0 : i32
    %c0_i32_0 = arith.constant 0 : i32
    %c0_i32_1 = arith.constant 0 : i32
    return %c0_i32, %c0_i32_0 : i32, i32
  }
  func.func @transform_5(%arg0: i32) -> (i32, i32) {
    %c0_i32 = arith.constant 0 : i32
    %c0_i32_0 = arith.constant 0 : i32
    %c0_i32_1 = arith.constant 0 : i32
    return %c0_i32, %c0_i32_0 : i32, i32
  }
  func.func @transform_6(%arg0: i32) -> (i32, i32) {
    %c0_i32 = arith.constant 0 : i32
    %c0_i32_0 = arith.constant 0 : i32
    %c0_i32_1 = arith.constant 0 : i32
    return %c0_i32, %c0_i32_0 : i32, i32
  }
  func.func @transform_7(%arg0: i32) -> (i32, i32) {
    %c0_i32 = arith.constant 0 : i32
    %c0_i32_0 = arith.constant 0 : i32
    return %arg0, %c0_i32 : i32, i32
  }
}

module attributes {stable_mosaic.version = 14 : i64} {
  func.func @body(%arg0: i32, %arg1: memref<3584x8xf32, #tpu.memory_space<vmem>>, %arg2: memref<3584x8xf32, #tpu.memory_space<vmem>>, %arg3: memref<3584x8xf32, #tpu.memory_space<vmem>>, %arg4: memref<3584x1xf32, #tpu.memory_space<vmem>>, %arg5: memref<1x2xf32, #tpu.memory_space<vmem>>, %arg6: memref<3584x2xf32, #tpu.memory_space<vmem>>) attributes {dimension_semantics = [#tpu.dimension_semantics<arbitrary>], iteration_bounds = array<i64: 14>, scalar_prefetch = 0 : i64, scratch_operands = 0 : i64, tpu.core_type = #tpu.core_type<tc>, window_params = [{transform_indices = @transform_0, window_bounds = array<i64: 3584, 8>}, {transform_indices = @transform_1, window_bounds = array<i64: 3584, 8>}, {transform_indices = @transform_2, window_bounds = array<i64: 3584, 8>}, {transform_indices = @transform_3, window_bounds = array<i64: 3584, 1>}, {pipeline_mode = #tpu.pipeline_mode<synchronous>, transform_indices = @transform_4, window_bounds = array<i64: 1, 2>}, {transform_indices = @transform_5, window_bounds = array<i64: 3584, 2>}]} {
    %get3A = arith.constant 0 : index
    %get3A_0 = arith.constant 0 : index
    %get3A_1 = vector.load %arg1[%get3A, %get3A_0] : memref<3584x8xf32, #tpu.memory_space<vmem>>, vector<3584x8xf32>
    %get3A_2 = arith.constant 0 : index
    %get3A_3 = arith.constant 0 : index
    %get3A_4 = vector.load %arg2[%get3A_2, %get3A_3] : memref<3584x8xf32, #tpu.memory_space<vmem>>, vector<3584x8xf32>
    %add3A = arith.addf %get3A_1, %get3A_4 : vector<3584x8xf32>
    %get3A_5 = arith.constant 0 : index
    %get3A_6 = arith.constant 0 : index
    %get3A_7 = vector.load %arg3[%get3A_5, %get3A_6] : memref<3584x8xf32, #tpu.memory_space<vmem>>, vector<3584x8xf32>
    %add3A_8 = arith.addf %add3A, %get3A_7 : vector<3584x8xf32>
    %get3A_9 = arith.constant 0 : index
    %get3A_10 = arith.constant 0 : index
    %get3A_11 = vector.load %arg4[%get3A_9, %get3A_10] : memref<3584x1xf32, #tpu.memory_space<vmem>>, vector<3584x1xf32>
    %mul3A = vector.broadcast %get3A_11 : vector<3584x1xf32> to vector<3584x8xf32>
    %mul3A_12 = arith.mulf %add3A_8, %mul3A : vector<3584x8xf32>
    %slice3A = vector.extract_strided_slice %mul3A_12 {offsets = [0, 0], sizes = [3584, 2], strides = [1, 1]} : vector<3584x8xf32> to vector<3584x2xf32>
    %get3A_13 = arith.constant 0 : index
    %get3A_14 = arith.constant 0 : index
    %get3A_15 = vector.load %arg5[%get3A_13, %get3A_14] : memref<1x2xf32, #tpu.memory_space<vmem>>, vector<1x2xf32>
    %add3A_16 = vector.broadcast %get3A_15 : vector<1x2xf32> to vector<3584x2xf32>
    %add3A_17 = arith.addf %slice3A, %add3A_16 : vector<3584x2xf32>
    %reduce_max3A = arith.constant dense<0xFF800000> : vector<3584xf32>
    %reduce_max3A_18 = vector.multi_reduction <maximumf>, %add3A_17, %reduce_max3A [1] : vector<3584x2xf32> to vector<3584xf32>
    %broadcast_in_dim3A = vector.shape_cast %reduce_max3A_18 : vector<3584xf32> to vector<3584x1xf32>
    %sub3A = vector.broadcast %broadcast_in_dim3A : vector<3584x1xf32> to vector<3584x2xf32>
    %sub3A_19 = arith.subf %add3A_17, %sub3A : vector<3584x2xf32>
    %exp3A = math.exp %sub3A_19 : vector<3584x2xf32>
    %reduce_sum3A = arith.constant dense<0.000000e+00> : vector<3584xf32>
    %reduce_sum3A_20 = vector.multi_reduction <add>, %exp3A, %reduce_sum3A [1] : vector<3584x2xf32> to vector<3584xf32>
    %broadcast_in_dim3A_21 = vector.shape_cast %reduce_sum3A_20 : vector<3584xf32> to vector<3584x1xf32>
    %log3A = math.log %broadcast_in_dim3A_21 : vector<3584x1xf32>
    %add3A_22 = arith.addf %broadcast_in_dim3A, %log3A : vector<3584x1xf32>
    %sub3A_23 = vector.broadcast %add3A_22 : vector<3584x1xf32> to vector<3584x2xf32>
    %sub3A_24 = arith.subf %add3A_17, %sub3A_23 : vector<3584x2xf32>
    %swap3A = arith.constant 0 : index
    %swap3A_25 = arith.constant 0 : index
    %swap3A_26 = vector.load %arg6[%swap3A, %swap3A_25] : memref<3584x2xf32, #tpu.memory_space<vmem>>, vector<3584x2xf32>
    tpu.vector_store %arg6[%swap3A, %swap3A_25], %sub3A_24 {strides = array<i32>} : memref<3584x2xf32, #tpu.memory_space<vmem>>, vector<3584x2xf32>,
    return
  }
  func.func @transform_0(%arg0: i32) -> (i32, i32) {
    %c0_i32 = arith.constant 0 : i32
    %c0_i32_0 = arith.constant 0 : i32
    return %arg0, %c0_i32 : i32, i32
  }
  func.func @transform_1(%arg0: i32) -> (i32, i32) {
    %c0_i32 = arith.constant 0 : i32
    %c0_i32_0 = arith.constant 0 : i32
    return %arg0, %c0_i32 : i32, i32
  }
  func.func @transform_2(%arg0: i32) -> (i32, i32) {
    %c0_i32 = arith.constant 0 : i32
    %c0_i32_0 = arith.constant 0 : i32
    return %arg0, %c0_i32 : i32, i32
  }
  func.func @transform_3(%arg0: i32) -> (i32, i32) {
    %c0_i32 = arith.constant 0 : i32
    %c0_i32_0 = arith.constant 0 : i32
    return %arg0, %c0_i32 : i32, i32
  }
  func.func @transform_4(%arg0: i32) -> (i32, i32) {
    %c0_i32 = arith.constant 0 : i32
    %c0_i32_0 = arith.constant 0 : i32
    %c0_i32_1 = arith.constant 0 : i32
    return %c0_i32, %c0_i32_0 : i32, i32
  }
  func.func @transform_5(%arg0: i32) -> (i32, i32) {
    %c0_i32 = arith.constant 0 : i32
    %c0_i32_0 = arith.constant 0 : i32
    return %arg0, %c0_i32 : i32, i32
  }
}

</mosaic_0001>

<sc_bundles>
// kernel: kernel.11.cloned.1.call-start
scs
__scs_entry_jumppad:
0x0: {  	(pc) =	sbr.rel $0x88, $3  }
0x1: {  	(tag) =	ssettag $0x0;
	lr =	simm.s32 $0x1  }
0x2: {  	[smem:$0x3F9B] =	sst lr;
	_ =	strace $0xD0000000  }
0x3: {  	_ = 	snop  }
0x4: {  	_ = 	snop  }
0x5: {  	_ = 	snop  }
0x6: {  	_ = 	snop  }
0x7: {  	_ = 	snop  }
__scs_overlays_trampoline_lowered:
0x8: {  	[smem:$0x3FAA] =	sst s0  }
0x9: {  	[smem:$0x3FAB] =	sst s1  }
0xa: {  	[smem:$0x3FAC] =	sst s2  }
0xb: {  	[smem:$0x3FAD] =	sst s3  }
0xc: {  	[smem:$0x3FAE] =	sst s4  }
0xd: {  	[smem:$0x3FAF] =	sst s5  }
0xe: {  	[smem:$0x3FB0] =	sst s6  }
0xf: {  	[smem:$0x3FB1] =	sst s7  }
0x10: {  	[smem:$0x3FB2] =	sst s8  }
0x11: {  	[smem:$0x3FB3] =	sst s9;
	s0 =	simm.s32 @!p0 $0x0  }
0x12: {  	s1 =	sld [smem:$0x3F99];
	s0 =	simm.s32 @p0 $0x1  }
0x13: {  	[smem:$0x3FB4] =	sst s0;
	s0 =	simm.s32 @!p1 $0x0  }
0x14: {  	s2 =	sld [smem:$0x3F98];
	s0 =	simm.s32 @p1 $0x1  }
0x15: {  	[smem:$0x3FB5] =	sst s0;
	s0 =	simm.s32 @!p2 $0x0  }
0x16: {  	s3 =	sld [smem:$0x3FDB];
	s0 =	simm.s32 @p2 $0x1  }
0x17: {  	s4 =	simm.s32 $0x1BF5;
	[smem:$0x3FB7] =	sst s0  }
0x18: {  	s0 =	sld [smem:$0x3F9A];
	_ =	swait.ge [sflag:s4], $0x0  }
0x19: {  	s7 =	sld [smem:$0x3F9B]  }
0x1a: {  	s8 =	sadd.s32 $0xFFFFE003, lr  }
0x1b: {  	s9 =	sadd.s32 $0xFFFFFEF7, lr;
	s5 =	simm.s32 $0xFFFFFFFF;
	p2 =	slt.u32 s8, $0xFFFFF086  }
0x1c: {  	p1 =	slt.u32 s9, $0xF7A;
	s5 =	simm.s32 @!p2 $0x0  }
0x1d: {  	s5 =	simm.s32 @p1 $0x1;
	p0 =	seq.s32 s7, s2  }
0x1e: {  	s7 =	smul.u32 @!p0 $0xF7A, s2;
	p2 =	seq.s32 @!p0 s5, $0x0  }
0x1f: {  	s9 =	smul.u32 $0xF7A, s1;
	s8 =	simm.s32 @!p0 $0x1BF5;
	p2 =	por !p2, p0  }
0x20: {  	[sflag:s8] =	ssyncset.s32 @!p0 $0xFFFFF086;
	s6 =	sadd.s32 @!p0 s3, s7;
	s7 =	simm.s32 @!p0 $0x108  }
0x21: {  	s3 =	sadd.s32 s3, s9;
	s6 =	sadd.s32 @!p0 $0x88, s6;
	s7 =	simm.s32 @p2 $0x1082  }
0x22: {  	[simem:s7], [sflag:s8] =	dma.local @!p0 [hbm:s6], $0xF7A  }
0x23: {  	s9 =	sor.u32 $0xD0000000, s2;
	s6 =	simm.s32 $0x108;
	_ =	swait.ge @!p0 [sflag:s8], $0x0  }
0x24: {  	s3 =	sadd.s32 $0x88, s3;
	s6 =	simm.s32 @!p1 $0x1082;
	[sflag:s4] =	ssyncset.s32 $0xFFFFF086  }
0x25: {  	[simem:s6], [sflag:s4] =	dma.local [hbm:s3], $0xF7A  }
0x26: {  	[smem:$0x3F9B] =	sst s1;
	(tag) =	ssettag s2;
	_ =	strace s9  }
0x27: {  	s1 =	sld [smem:$0x3FAB]  }
0x28: {  	s2 =	sld [smem:$0x3FAC]  }
0x29: {  	s4 =	sld [smem:$0x3FAE]  }
0x2a: {  	p0 =	seq.s32 s5, $0x0;
	s5 =	sld [smem:$0x3FAF]  }
0x2b: {  	s6 =	sld [smem:$0x3FB0]  }
0x2c: {  	s7 =	sld [smem:$0x3FB1]  }
0x2d: {  	s3 =	simm.s32 $0x108;
	s8 =	sld [smem:$0x3FB2]  }
0x2e: {  	s3 =	simm.s32 @!p0 $0x1082;
	s9 =	sld [smem:$0x3FB3]  }
0x2f: {  	lr =	sadd.s32 s0, s3;
	s0 =	sld [smem:$0x3FAA]  }
0x30: {  	s3 =	sld [smem:$0x3FAD]  }
0x31: {  	[smem:$0x3FB6] =	sst s10  }
0x32: {  	s10 =	sld [smem:$0x3FB4];
	_ =	sdelay $0x3  }
0x33: {  	p0 =	seq.s32 s10, $0x1;
	s10 =	sld [smem:$0x3FB6];
	_ =	sdelay $0x3  }
0x34: {  	[smem:$0x3FB6] =	sst s10  }
0x35: {  	s10 =	sld [smem:$0x3FB5];
	_ =	sdelay $0x3  }
0x36: {  	p1 =	seq.s32 s10, $0x1;
	s10 =	sld [smem:$0x3FB6];
	_ =	sdelay $0x3  }
0x37: {  	[smem:$0x3FB6] =	sst s10  }
0x38: {  	s10 =	sld [smem:$0x3FB7]  }
0x39: {  	_ = 	snop;
	(pc) =	sbr.ind lr, $3  }
0x3a: {  	_ = 	snop  }
0x3b: {  	_ = 	snop  }
0x3c: {  	p2 =	seq.s32 s10, $0x1;
	s10 =	sld [smem:$0x3FB6]  }
0x3d: {  	_ =	shalt  }
0x3e: {  	_ =	shalt  }
0x3f: {  	_ =	shalt  }
0x40: {  	_ =	shalt  }
0x41: {  	_ =	shalt  }
0x42: {  	_ =	shalt  }
0x43: {  	_ =	shalt  }
0x44: {  	_ =	shalt  }
0x45: {  	_ =	shalt  }
0x46: {  	_ =	shalt  }
0x47: {  	_ =	shalt  }
0x48: {  	_ =	shalt  }
0x49: {  	_ =	shalt  }
0x4a: {  	_ =	shalt  }
0x4b: {  	_ =	shalt  }
0x4c: {  	_ =	shalt  }
0x4d: {  	_ =	shalt  }
0x4e: {  	_ =	shalt  }
0x4f: {  	_ =	shalt  }
0x50: {  	_ =	shalt  }
0x51: {  	_ =	shalt  }
0x52: {  	_ =	shalt  }
0x53: {  	_ =	shalt  }
0x54: {  	_ =	shalt  }
0x55: {  	_ =	shalt  }
0x56: {  	_ =	shalt  }
0x57: {  	_ =	shalt  }
0x58: {  	_ =	shalt  }
0x59: {  	_ =	shalt  }
0x5a: {  	_ =	shalt  }
0x5b: {  	_ =	shalt  }
0x5c: {  	_ =	shalt  }
0x5d: {  	_ =	shalt  }
0x5e: {  	_ =	shalt  }
0x5f: {  	_ =	shalt  }
0x60: {  	_ =	shalt  }
0x61: {  	_ =	shalt  }
0x62: {  	_ =	shalt  }
0x63: {  	_ =	shalt  }
0x64: {  	_ =	shalt  }
0x65: {  	_ =	shalt  }
0x66: {  	_ =	shalt  }
0x67: {  	_ =	shalt  }
0x68: {  	_ =	shalt  }
0x69: {  	_ =	shalt  }
0x6a: {  	_ =	shalt  }
0x6b: {  	_ =	shalt  }
0x6c: {  	_ =	shalt  }
0x6d: {  	_ =	shalt  }
0x6e: {  	_ =	shalt  }
0x6f: {  	_ =	shalt  }
0x70: {  	_ =	shalt  }
0x71: {  	_ =	shalt  }
0x72: {  	_ =	shalt  }
0x73: {  	_ =	shalt  }
0x74: {  	_ =	shalt  }
0x75: {  	_ =	shalt  }
0x76: {  	_ =	shalt  }
0x77: {  	_ =	shalt  }
0x78: {  	_ =	shalt  }
0x79: {  	_ =	shalt  }
0x7a: {  	_ =	shalt  }
0x7b: {  	_ =	shalt  }
0x7c: {  	_ =	shalt  }
0x7d: {  	_ =	shalt  }
0x7e: {  	_ =	shalt  }
0x7f: {  	_ =	shalt  }
0x80: {  	_ =	shalt  }
0x81: {  	_ =	shalt  }
0x82: {  	_ =	shalt  }
0x83: {  	_ =	shalt  }
0x84: {  	_ =	shalt  }
0x85: {  	_ =	shalt  }
0x86: {  	_ =	shalt  }
0x87: {  	_ =	shalt  }
.Lfunc_end0:
.L_simem_size_0:
called_computation.1_lowered:
.L_overlay_start_0:
0x88: {  	s2 =	sld [smem:$0x3FD9]  }
0x89: {  	s3 =	sld [smem:$0x3FFE];
	_ =	sdelay $0x1  }
0x8a: {  	s1 =	srdreg.scid  }
0x8b: {  	s0 =	sand.u32 $0x1, s1  }
0x8c: {  	s16 =	sshll.u32 s0, $0xA;
	s2 =	sadd.s32 s3, s2  }
0x8d: {  	s2 =	sadd.s32 s2, s16  }
0x8e: {  	[smem:$0x3FC2] =	sst s2  }
0x8f: {  	_ = 	snop  }
0x90: {  	(tm) =	ssettm $0x1  }
0x91: {  	s17 =	sld [smem:$0x3FFB];
	_ =	sdelay $0x3  }
0x92: {  	_ =	strace s17  }
0x93: {  	s2 =	sld [smem:$0x3FFC];
	_ =	sdelay $0x3  }
0x94: {  	_ =	strace s2  }
0x95: {  	s2 =	sld [smem:$0x3FFD];
	_ =	sdelay $0x3  }
0x96: {  	_ =	strace s2  }
0x97: {  	_ =	strace $0x8FFFFFFF  }
0x98: {  	s18 =	sld [smem:$0x3FDB];
	_ =	sdelay $0x1  }
0x99: {  	s19 =	simm.s32 $_scs_section_size  }
0x9a: {  	s4 =	simm.s32 $_size__tile_overlayer_lowered;
	s5 =	simm.s32 $_tile_overlayer_lowered  }
0x9b: {  	s22 =	simm.s32 $0x1BFF;
	s21 =	sshll.u32 s5, $0x1;
	s2 =	sadd.s32 s19, s18  }
0x9c: {  	s6 =	simm.s32 $0x0;
	s20 =	sshll.u32 s4, $0x1;
	s4 =	sadd.s32 s21, s2  }
0x9d: {  	[timem:s6], [sflag:s22] =	dma.local [hbm:s4], s20  }
0x9e: {  	_ =	swait.ge [sflag:s22], s20  }
0x9f: {  	s3 =	ssub.s32 $0x0, s20;
	[sflag:s22] =	ssyncset.done $0x0  }
0xa0: {  	[sflag:s22] =	ssyncadd.s32 s3;
	_ =	sdelay $0x1  }
0xa1: {  	s23 =	simm.s32 $0x1B8B  }
0xa2: {  	_ =	swait.ge [sflag:s23], $0x1  }
0xa3: {  	[sflag:s23] =	ssyncset.done $0x0  }
0xa4: {  	s25 =	simm.s32 $0x1B8E;
	s24 =	sld [smem:$0x3FFE];
	[sflag:s23] =	ssyncadd.s32 $0xFFFFFFFF  }
0xa5: {  	s26 =	simm.s32 $execute0_lowered;
	[smem:$0x3FD2] =	sst s25  }
0xa6: {  	s4 =	sshll.u32 s26, $0x1;
	_ =	strace $0x80000049;
	[dreg:$0x1] =	wrdreg $0xFFFFFFFF  }
0xa7: {  	s28 =	simm.s32 $_size_execute0_lowered;
	s2 =	sadd.s32 s2, s4;
	[dreg:$0x0] =	wrdreg $0x0  }
0xa8: {  	s4 =	sshll.u32 s28, $0x1;
	[dreg:$0x2] =	wrdreg s2  }
0xa9: {  	[dreg:$0x3] =	wrdreg s4  }
0xaa: {  	[dreg:$0x4] =	wrdreg $0xC0  }
0xab: {  	_ =	task [dreg:s6], $0x5FFFF  }
0xac: {  	[dreg:$0x1] =	wrdreg $0xFFFFFFFF  }
0xad: {  	[dreg:$0x0] =	wrdreg $0x60  }
0xae: {  	[dreg:$0x2] =	wrdreg s24  }
0xaf: {  	[dreg:$0x3] =	wrdreg $0x19C000  }
0xb0: {  	[dreg:$0x4] =	wrdreg $0x13A000  }
0xb1: {  	[dreg:$0x5] =	wrdreg $0x9  }
0xb2: {  	_ =	task.clear_ibuf [dreg:s6], $0x6FFFF;
	_ =	strace $0x90000049  }
0xb3: {  	s29 =	simm.s32 $0x9;
	_ =	strace $0x8000004B  }
0xb4: {  	_ =	swait.ge [sflag:s29], $0x1  }
0xb5: {  	[sflag:s29] =	ssyncadd.s32 $0xFFFFFFFF  }
0xb6: {  	_ =	strace $0x9000004B  }
0xb7: {  	_ =	sfence  }
0xb8: {  	s30 =	sld [smem:$0x0];
	_ =	sdelay $0x2  }
0xb9: {  	s31 =	sshll.u32 s1, $0xD;
	s1 =	sshrl.u32 s1, $0x2  }
0xba: {  	s3 =	sand.u32 $0x4000, s31;
	s1 =	sadd.s32 s1, s30  }
0xbb: {  	s0 =	sor.u32 s3, s0;
	s1 =	sshll.u32 s1, $0x11  }
0xbc: {  	s0 =	sor.u32 s1, s0  }
0xbd: {  	s0 =	sadd.s32 $0x8F2B, s0  }
0xbe: {  	[sflag:s0] =	ssyncadd.remote.s32 $0x1  }
0xbf: {  	_ =	sfence.sel $0xFFFF  }
0xc0: {  	[dreg:$0x0] =	wrdreg $0xFFFFFFFF;
	(pc) =	sbr.abs _section_cstart, $3  }
0xc1: {  	[dreg:$0x1] =	wrdreg $0xFFFFFFFF  }
0xc2: {  	_ =	task.clear_ibuf [dreg:s6], $0x2FFFF;
	_ =	strace $0x9FFFFFFF  }
0xc3: {  	(tm) =	ssettm $0x7FFFFFFF  }
tec
execute0_lowered:
.L_overlay_start_1:
0x0: {  	(tag) =	ssettag $0x1  }
0x1: {  	s1 =	rddreg [dreg:$0x0]  }
0x2: {  	s0 =	srdreg.scid;
	s2 =	rddreg [dreg:$0x1]  }
0x3: {  	s6 =	stileid.u32;
	s3 =	rddreg [dreg:$0x2];
	s13 =	simm.s32 $0x5  }
0x4: {  	s15 =	simm.s32 $0xD800;
	s16 =	simm.s32 $0x80;
	s17 =	simm.s32 $0xC800  }
0x5: {  	s18 =	simm.s32 $0xCC00;
	s20 =	simm.s32 $0xD000;
	s21 =	simm.s32 $0x180  }
0x6: {  	s22 =	simm.s32 $0xD400;
	s23 =	simm.s32 $0x1;
	s24 =	simm.s32 $0x2  }
0x7: {  	s28 =	simm.s32 $0xC600;
	s29 =	simm.s32 $0xC680;
	s30 =	simm.s32 $0xC700  }
0x8: {  	s31 =	simm.s32 $0xC780;
	s0 =	sand.u32 $0x1, s0;
	s10 =	smul.u32 $0x6200, s6  }
0x9: {  	s4 =	sshll.u32 s0, $0x4;
	s8 =	ssub.s32 $0x2, s0;
	s0 =	smul.u32 $0xC400, s0  }
0xa: {  	s5 =	sor.u32 s6, s4;
	s4 =	simm.s32 $0x0;
	s6 =	smul.u32 $0xC40, s6  }
0xb: {  	s25 =	sshrl.u32 s10, $0x3;
	s26 =	sshrl.u32 s8, $0x1;
	s5 =	smul.u32 $0xC80, s5  }
0xc: {  	[smem:$0x7FF] =	sst s4;
	s9 =	sadd.s32 s25, s1;
	s12 =	ssub.s32 s8, s26  }
0xd: {  	s8 =	sadd.s32 s10, s2;
	s10 =	sadd.s32 s10, s3;
	s25 =	simm.s32 $0x3  }
0xe: {  	s26 =	simm.s32 $0x4;
	_ =	strace $0x8000004A;
	s7 =	sadd.s32 s5, s1  }
0xf: {  	s12 =	smax.u32 s12, $0x1;
	s1 =	sadd.s32 s6, s1;
	s5 =	sadd.s32 $0xE1C00, s7  }
0x10: {  	s6 =	sadd.s32 $0x1A00, s7;
	s7 =	sadd.s32 $0x1AA00, s9;
	s0 =	sadd.s32 s0, s1  }
0x11: {  	s9 =	sadd.s32 $0x26E00, s9;
	s1 =	simm.s32 $0x0;
	s11 =	sadd.s32 $0x33200, s0  }
.LBB2_1:
0x12: {  	[tilespmem:s4], [sflag:$0x5] =	stream.linear.gather [hbm4b:s5+s4], $0x6400, $0x38;
	[tilespmem:$0x1FE00] =	vst v63  }
0x13: {  	_ =	swait.ge [sflag:s13], $0x6400  }
0x14: {  	[sflag:s13] =	ssyncset.done $0x0  }
0x15: {  	s0 =	simm.s32 $0x6400;
	[sflag:s13] =	ssyncadd.s32 $0xFFFF9C00  }
0x16: {  	[tilespmem:s0], [sflag:$0x5] =	stream.linear.gather [hbm4b:s6+s4], $0x6400, $0x38;
	[tilespmem:$0x1FE00] =	vst v63  }
0x17: {  	_ =	swait.ge [sflag:s13], $0x6400  }
0x18: {  	[sflag:s13] =	ssyncset.done $0x0  }
0x19: {  	[sflag:s13] =	ssyncadd.s32 $0xFFFF9C00  }
0x1a: {  	[tilespmem:s15], [sflag:$0x5] =	stream.linear.gather [hbm4b:s7+s4], $0x6200, $0x38;
	[tilespmem:$0x1FE00] =	vst v63  }
0x1b: {  	_ =	swait.ge [sflag:s13], $0x6200  }
0x1c: {  	[sflag:s13] =	ssyncset.done $0x0  }
0x1d: {  	[sflag:s13] =	ssyncadd.s32 $0xFFFF9E00  }
0x1e: {  	[spmem:s8] =	stream.linear.scatter [tilespmem:s15], [sflag:$0x5], $0x6200, $0x38;
	[tilespmem:$0x1FE00] =	vst v63  }
0x1f: {  	_ =	swait.ge [sflag:s13], $0x6200  }
0x20: {  	[sflag:s13] =	ssyncset.done $0x0  }
0x21: {  	[sflag:s13] =	ssyncadd.s32 $0xFFFF9E00  }
0x22: {  	[tilespmem:s15], [sflag:$0x5] =	stream.linear.gather [hbm4b:s9+s4], $0x6200, $0x38;
	[tilespmem:$0x1FE00] =	vst v63  }
0x23: {  	_ =	swait.ge [sflag:s13], $0x6200  }
0x24: {  	[sflag:s13] =	ssyncset.done $0x0  }
0x25: {  	[sflag:s13] =	ssyncadd.s32 $0xFFFF9E00  }
0x26: {  	[spmem:s10] =	stream.linear.scatter [tilespmem:s15], [sflag:$0x5], $0x6200, $0x38;
	[tilespmem:$0x1FE00] =	vst v63  }
0x27: {  	_ =	swait.ge [sflag:s13], $0x6200  }
0x28: {  	[sflag:s13] =	ssyncset.done $0x0  }
0x29: {  	[sflag:s13] =	ssyncadd.s32 $0xFFFF9E00  }
0x2a: {  	[bflag:$0x0] =	sbarrier.arrive $0xFFFF  }
0x2b: {  	[tilespmem:s17], [sflag:$0x1] =	stream.indirect.gather [spmem:s2], $0x8, s4, s16, $0xb8;
	[tilespmem:$0x1FE00] =	vst v63  }
0x2c: {  	_ = 	snop  }
0x2d: {  	[tilespmem:s18], [sflag:$0x2] =	stream.indirect.gather [spmem:s2], $0x8, s16, s16, $0xb8;
	[tilespmem:$0x1FE00] =	vst v63  }
0x2e: {  	s14 =	simm.s32 $0x100  }
0x2f: {  	[tilespmem:s20], [sflag:$0x3] =	stream.indirect.gather [spmem:s2], $0x8, s14, s16, $0xb8;
	[tilespmem:$0x1FE00] =	vst v63  }
0x30: {  	_ = 	snop  }
0x31: {  	[tilespmem:s22], [sflag:$0x4] =	stream.indirect.gather [spmem:s2], $0x8, s21, s16, $0xb8;
	[tilespmem:$0x1FE00] =	vst v63  }
0x32: {  	_ =	swait.ge [sflag:s23], $0x400  }
0x33: {  	[sflag:s23] =	ssyncset.done $0x0  }
0x34: {  	s19 =	simm.s32 $0x6400;
	[sflag:s23] =	ssyncadd.s32 $0xFFFFFC00  }
0x35: {  	[spmem:s3] =	stream.indirect.scatter.add.f32 [tilespmem:s17], [sflag:$0x5], $0x8, s19, s16, $0xb8;
	[tilespmem:$0x1FE00] =	vst v63  }
0x36: {  	_ =	swait.ge [sflag:s13], $0x400  }
0x37: {  	[sflag:s13] =	ssyncset.done $0x0  }
0x38: {  	s14 =	simm.s32 $0x200;
	[sflag:s13] =	ssyncadd.s32 $0xFFFFFC00  }
0x39: {  	[tilespmem:s17], [sflag:$0x1] =	stream.indirect.gather [spmem:s2], $0x8, s14, s16, $0xb8;
	[tilespmem:$0x1FE00] =	vst v63  }
0x3a: {  	_ =	swait.ge [sflag:s24], $0x400  }
0x3b: {  	[sflag:s24] =	ssyncset.done $0x0  }
0x3c: {  	s19 =	simm.s32 $0x6480;
	[sflag:s24] =	ssyncadd.s32 $0xFFFFFC00  }
0x3d: {  	[spmem:s3] =	stream.indirect.scatter.add.f32 [tilespmem:s18], [sflag:$0x5], $0x8, s19, s16, $0xb8;
	[tilespmem:$0x1FE00] =	vst v63  }
0x3e: {  	_ =	swait.ge [sflag:s13], $0x400  }
0x3f: {  	[sflag:s13] =	ssyncset.done $0x0  }
0x40: {  	s14 =	simm.s32 $0x280;
	[sflag:s13] =	ssyncadd.s32 $0xFFFFFC00  }
0x41: {  	[tilespmem:s18], [sflag:$0x2] =	stream.indirect.gather [spmem:s2], $0x8, s14, s16, $0xb8;
	[tilespmem:$0x1FE00] =	vst v63  }
0x42: {  	_ =	swait.ge [sflag:s25], $0x400  }
0x43: {  	[sflag:s25] =	ssyncset.done $0x0  }
0x44: {  	s19 =	simm.s32 $0x6500;
	[sflag:s25] =	ssyncadd.s32 $0xFFFFFC00  }
0x45: {  	[spmem:s3] =	stream.indirect.scatter.add.f32 [tilespmem:s20], [sflag:$0x5], $0x8, s19, s16, $0xb8;
	[tilespmem:$0x1FE00] =	vst v63  }
0x46: {  	_ =	swait.ge [sflag:s13], $0x400  }
0x47: {  	[sflag:s13] =	ssyncset.done $0x0  }
0x48: {  	s14 =	simm.s32 $0x300;
	[sflag:s13] =	ssyncadd.s32 $0xFFFFFC00  }
0x49: {  	[tilespmem:s20], [sflag:$0x3] =	stream.indirect.gather [spmem:s2], $0x8, s14, s16, $0xb8;
	[tilespmem:$0x1FE00] =	vst v63  }
0x4a: {  	_ =	swait.ge [sflag:s26], $0x400  }
0x4b: {  	[sflag:s26] =	ssyncset.done $0x0  }
0x4c: {  	s19 =	simm.s32 $0x6580;
	[sflag:s26] =	ssyncadd.s32 $0xFFFFFC00  }
0x4d: {  	[spmem:s3] =	stream.indirect.scatter.add.f32 [tilespmem:s22], [sflag:$0x5], $0x8, s19, s16, $0xb8;
	[tilespmem:$0x1FE00] =	vst v63  }
0x4e: {  	_ =	swait.ge [sflag:s13], $0x400  }
0x4f: {  	[sflag:s13] =	ssyncset.done $0x0  }
0x50: {  	s0 =	simm.s32 $0x800;
	s14 =	simm.s32 $0x380;
	[sflag:s13] =	ssyncadd.s32 $0xFFFFFC00  }
.LBB2_2:
0x51: {  	[tilespmem:s22], [sflag:$0x4] =	stream.indirect.gather [spmem:s2], $0x8, s14, s16, $0xb8;
	[tilespmem:$0x1FE00] =	vst v63  }
0x52: {  	s14 =	smov.u32 s0  }
0x53: {  	p0 =	sne.s32 s0, $0x18000;
	s0 =	sadd.s32 $0x800, s0;
	_ =	swait.ge [sflag:s23], $0x400  }
0x54: {  	s14 =	sshra.s32 s14, $0x2;
	[sflag:s23] =	ssyncset.done $0x0  }
0x55: {  	s19 =	sadd.s32 $0x6400, s14;
	[sflag:s23] =	ssyncadd.s32 $0xFFFFFC00  }
0x56: {  	[spmem:s3] =	stream.indirect.scatter.add.f32 [tilespmem:s17], [sflag:$0x5], $0x8, s19, s16, $0xb8;
	[tilespmem:$0x1FE00] =	vst v63  }
0x57: {  	_ =	swait.ge [sflag:s13], $0x400  }
0x58: {  	[sflag:s13] =	ssyncset.done $0x0  }
0x59: {  	s19 =	sadd.s32 $0x200, s14;
	[sflag:s13] =	ssyncadd.s32 $0xFFFFFC00  }
0x5a: {  	[tilespmem:s17], [sflag:$0x1] =	stream.indirect.gather [spmem:s2], $0x8, s19, s16, $0xb8;
	[tilespmem:$0x1FE00] =	vst v63  }
0x5b: {  	_ =	swait.ge [sflag:s24], $0x400  }
0x5c: {  	[sflag:s24] =	ssyncset.done $0x0  }
0x5d: {  	s19 =	sadd.s32 $0x6480, s14;
	[sflag:s24] =	ssyncadd.s32 $0xFFFFFC00  }
0x5e: {  	[spmem:s3] =	stream.indirect.scatter.add.f32 [tilespmem:s18], [sflag:$0x5], $0x8, s19, s16, $0xb8;
	[tilespmem:$0x1FE00] =	vst v63  }
0x5f: {  	_ =	swait.ge [sflag:s13], $0x400  }
0x60: {  	[sflag:s13] =	ssyncset.done $0x0  }
0x61: {  	s19 =	sadd.s32 $0x280, s14;
	[sflag:s13] =	ssyncadd.s32 $0xFFFFFC00  }
0x62: {  	[tilespmem:s18], [sflag:$0x2] =	stream.indirect.gather [spmem:s2], $0x8, s19, s16, $0xb8;
	[tilespmem:$0x1FE00] =	vst v63  }
0x63: {  	_ =	swait.ge [sflag:s25], $0x400  }
0x64: {  	[sflag:s25] =	ssyncset.done $0x0  }
0x65: {  	s19 =	sadd.s32 $0x6500, s14;
	[sflag:s25] =	ssyncadd.s32 $0xFFFFFC00  }
0x66: {  	[spmem:s3] =	stream.indirect.scatter.add.f32 [tilespmem:s20], [sflag:$0x5], $0x8, s19, s16, $0xb8;
	[tilespmem:$0x1FE00] =	vst v63  }
0x67: {  	_ =	swait.ge [sflag:s13], $0x400  }
0x68: {  	[sflag:s13] =	ssyncset.done $0x0  }
0x69: {  	s19 =	sadd.s32 $0x300, s14;
	[sflag:s13] =	ssyncadd.s32 $0xFFFFFC00  }
0x6a: {  	[tilespmem:s20], [sflag:$0x3] =	stream.indirect.gather [spmem:s2], $0x8, s19, s16, $0xb8;
	[tilespmem:$0x1FE00] =	vst v63  }
0x6b: {  	_ =	swait.ge [sflag:s26], $0x400  }
0x6c: {  	[sflag:s26] =	ssyncset.done $0x0  }
.Ltmp0:
0x6d: {  	s19 =	sadd.s32 $0x6580, s14;
	[sflag:s26] =	ssyncadd.s32 $0xFFFFFC00;
	(pc) =	sbr.rel @p0 .LBB2_2-.Ltmp0, $4  }
0x6e: {  	[spmem:s3] =	stream.indirect.scatter.add.f32 [tilespmem:s22], [sflag:$0x5], $0x8, s19, s16, $0xb8;
	[tilespmem:$0x1FE00] =	vst v63  }
0x6f: {  	_ =	swait.ge [sflag:s13], $0x400  }
0x70: {  	[sflag:s13] =	ssyncset.done $0x0  }
0x71: {  	s14 =	sadd.s32 $0x380, s14;
	[sflag:s13] =	ssyncadd.s32 $0xFFFFFC00  }
0x72: {  	[tilespmem:s22], [sflag:$0x4] =	stream.indirect.gather [spmem:s2], $0x8, s14, s16, $0xb8;
	[tilespmem:$0x1FE00] =	vst v63  }
0x73: {  	_ =	swait.ge [sflag:s23], $0x400  }
0x74: {  	[sflag:s23] =	ssyncset.done $0x0  }
0x75: {  	[sflag:s23] =	ssyncadd.s32 $0xFFFFFC00  }
0x76: {  	[spmem:s3] =	stream.indirect.scatter.add.f32 [tilespmem:s17], [sflag:$0x5], $0x8, s28, s16, $0xb8;
	[tilespmem:$0x1FE00] =	vst v63  }
0x77: {  	_ =	swait.ge [sflag:s13], $0x400  }
0x78: {  	[sflag:s13] =	ssyncset.done $0x0  }
0x79: {  	[sflag:s13] =	ssyncadd.s32 $0xFFFFFC00  }
0x7a: {  	_ =	swait.ge [sflag:s24], $0x400  }
0x7b: {  	[sflag:s24] =	ssyncset.done $0x0  }
0x7c: {  	[sflag:s24] =	ssyncadd.s32 $0xFFFFFC00  }
0x7d: {  	[spmem:s3] =	stream.indirect.scatter.add.f32 [tilespmem:s18], [sflag:$0x5], $0x8, s29, s16, $0xb8;
	[tilespmem:$0x1FE00] =	vst v63  }
0x7e: {  	_ =	swait.ge [sflag:s13], $0x400  }
0x7f: {  	[sflag:s13] =	ssyncset.done $0x0  }
0x80: {  	[sflag:s13] =	ssyncadd.s32 $0xFFFFFC00  }
0x81: {  	_ =	swait.ge [sflag:s25], $0x400  }
0x82: {  	[sflag:s25] =	ssyncset.done $0x0  }
0x83: {  	[sflag:s25] =	ssyncadd.s32 $0xFFFFFC00  }
0x84: {  	[spmem:s3] =	stream.indirect.scatter.add.f32 [tilespmem:s20], [sflag:$0x5], $0x8, s30, s16, $0xb8;
	[tilespmem:$0x1FE00] =	vst v63  }
0x85: {  	_ =	swait.ge [sflag:s13], $0x400  }
0x86: {  	[sflag:s13] =	ssyncset.done $0x0  }
0x87: {  	[sflag:s13] =	ssyncadd.s32 $0xFFFFFC00  }
0x88: {  	_ =	swait.ge [sflag:s26], $0x400  }
0x89: {  	[sflag:s26] =	ssyncset.done $0x0  }
0x8a: {  	[sflag:s26] =	ssyncadd.s32 $0xFFFFFC00  }
0x8b: {  	[spmem:s3] =	stream.indirect.scatter.add.f32 [tilespmem:s22], [sflag:$0x5], $0x8, s31, s16, $0xb8;
	[tilespmem:$0x1FE00] =	vst v63  }
0x8c: {  	_ =	swait.ge [sflag:s13], $0x400  }
0x8d: {  	[sflag:s13] =	ssyncset.done $0x0  }
0x8e: {  	[sflag:s13] =	ssyncadd.s32 $0xFFFFFC00  }
0x8f: {  	[bflag:$0x0] =	sbarrier.arrive $0xFFFF  }
0x90: {  	[tilespmem:s15], [sflag:$0x5] =	stream.linear.gather [spmem:s10], $0x6200, $0x38;
	[tilespmem:$0x1FE00] =	vst v63  }
0x91: {  	s1 =	sadd.s32 $0x1, s1;
	_ =	swait.ge [sflag:s13], $0x6200  }
0x92: {  	p0 =	sne.s32 s1, s12;
	[sflag:s13] =	ssyncset.done $0x0  }
.Ltmp1:
0x93: {  	[sflag:s13] =	ssyncadd.s32 $0xFFFF9E00;
	(pc) =	sbr.rel @p0 .LBB2_1-.Ltmp1, $4  }
0x94: {  	[hbm4b:s11+s4] =	stream.linear.scatter [tilespmem:s15], [sflag:$0x5], $0x6200, $0x38;
	[tilespmem:$0x1FE00] =	vst v63  }
0x95: {  	_ =	swait.ge [sflag:s13], $0x6200  }
0x96: {  	[sflag:s13] =	ssyncset.done $0x0  }
0x97: {  	[sflag:s13] =	ssyncadd.s32 $0xFFFF9E00  }
0x98: {  	_ =	sfence.sel $0x180000  }
0x99: {  	[bflag:$0x0] =	sbarrier.arrive $0xFFFF  }
0x9a: {  	_ =	strace $0x9000004A  }
0x9b: {  	s0 =	stileid.u32;
	[bflag:$0x2] =	sbarrier.arrive $0xFFFF  }
0x9c: {  	p0 =	sne.s32 s0, $0x0;
	s0 =	rddreg [dreg:$0x3]  }
0x9d: {  	s0 =	sadd.s32 @!p0 $0x100000, s0  }
0x9e: {  	[sflag:s0] =	ssyncadd.tile.s32 @!p0 $0x1;
	_ =	shalt  }
.Lfunc_end2:
_tile_overlayer_lowered:
.L_overlay_start_2:
0x9f: {  	(tag) =	ssettag $0x2  }
0xa0: {  	s0 =	rddreg [dreg:$0x0];
	s2 =	stileid.u32  }
0xa1: {  	s1 =	rddreg [dreg:$0x1];
	p0 =	sne.s32 s2, $0x0  }
0xa2: {  	s3 =	rddreg [dreg:$0x2];
	[bflag:$0x3] =	sbarrier.arrive $0xFFFF;
	s2 =	simm.s32 @!p0 $0x1C05  }
0xa3: {  	[timem:s3], [sflag:s2] =	dma.local @!p0 [hbm:s0], s1  }
0xa4: {  	s0 =	simm.s32 @!p0 $0x5  }
0xa5: {  	_ =	swait.ge @!p0 [sflag:s0], s1  }
0xa6: {  	s1 =	ssub.s32 @!p0 $0x0, s1;
	[sflag:s0] =	ssyncset.done @!p0 $0x0  }
0xa7: {  	[sflag:s0] =	ssyncadd.s32 @!p0 s1  }
0xa8: {  	[bflag:$0x3] =	sbarrier.arrive $0xFFFF  }
0xa9: {  	_ =	shalt  }

// kernel: kernel.14.cloned.1.call-start
scs
__scs_entry_jumppad:
0x0: {  	(pc) =	sbr.rel $0x88, $3  }
0x1: {  	(tag) =	ssettag $0x0;
	lr =	simm.s32 $0x1  }
0x2: {  	[smem:$0x3F9B] =	sst lr;
	_ =	strace $0xD0000000  }
0x3: {  	_ = 	snop  }
0x4: {  	_ = 	snop  }
0x5: {  	_ = 	snop  }
0x6: {  	_ = 	snop  }
0x7: {  	_ = 	snop  }
__scs_overlays_trampoline_lowered:
0x8: {  	[smem:$0x3FAA] =	sst s0  }
0x9: {  	[smem:$0x3FAB] =	sst s1  }
0xa: {  	[smem:$0x3FAC] =	sst s2  }
0xb: {  	[smem:$0x3FAD] =	sst s3  }
0xc: {  	[smem:$0x3FAE] =	sst s4  }
0xd: {  	[smem:$0x3FAF] =	sst s5  }
0xe: {  	[smem:$0x3FB0] =	sst s6  }
0xf: {  	[smem:$0x3FB1] =	sst s7  }
0x10: {  	[smem:$0x3FB2] =	sst s8  }
0x11: {  	[smem:$0x3FB3] =	sst s9;
	s0 =	simm.s32 @!p0 $0x0  }
0x12: {  	s1 =	sld [smem:$0x3F99];
	s0 =	simm.s32 @p0 $0x1  }
0x13: {  	[smem:$0x3FB4] =	sst s0;
	s0 =	simm.s32 @!p1 $0x0  }
0x14: {  	s2 =	sld [smem:$0x3F98];
	s0 =	simm.s32 @p1 $0x1  }
0x15: {  	[smem:$0x3FB5] =	sst s0;
	s0 =	simm.s32 @!p2 $0x0  }
0x16: {  	s3 =	sld [smem:$0x3FDB];
	s0 =	simm.s32 @p2 $0x1  }
0x17: {  	s4 =	simm.s32 $0x1BF5;
	[smem:$0x3FB7] =	sst s0  }
0x18: {  	s0 =	sld [smem:$0x3F9A];
	_ =	swait.ge [sflag:s4], $0x0  }
0x19: {  	s7 =	sld [smem:$0x3F9B]  }
0x1a: {  	s8 =	sadd.s32 $0xFFFFE003, lr  }
0x1b: {  	s9 =	sadd.s32 $0xFFFFFEF7, lr;
	s5 =	simm.s32 $0xFFFFFFFF;
	p2 =	slt.u32 s8, $0xFFFFF086  }
0x1c: {  	p1 =	slt.u32 s9, $0xF7A;
	s5 =	simm.s32 @!p2 $0x0  }
0x1d: {  	s5 =	simm.s32 @p1 $0x1;
	p0 =	seq.s32 s7, s2  }
0x1e: {  	s7 =	smul.u32 @!p0 $0xF7A, s2;
	p2 =	seq.s32 @!p0 s5, $0x0  }
0x1f: {  	s9 =	smul.u32 $0xF7A, s1;
	s8 =	simm.s32 @!p0 $0x1BF5;
	p2 =	por !p2, p0  }
0x20: {  	[sflag:s8] =	ssyncset.s32 @!p0 $0xFFFFF086;
	s6 =	sadd.s32 @!p0 s3, s7;
	s7 =	simm.s32 @!p0 $0x108  }
0x21: {  	s3 =	sadd.s32 s3, s9;
	s6 =	sadd.s32 @!p0 $0x88, s6;
	s7 =	simm.s32 @p2 $0x1082  }
0x22: {  	[simem:s7], [sflag:s8] =	dma.local @!p0 [hbm:s6], $0xF7A  }
0x23: {  	s9 =	sor.u32 $0xD0000000, s2;
	s6 =	simm.s32 $0x108;
	_ =	swait.ge @!p0 [sflag:s8], $0x0  }
0x24: {  	s3 =	sadd.s32 $0x88, s3;
	s6 =	simm.s32 @!p1 $0x1082;
	[sflag:s4] =	ssyncset.s32 $0xFFFFF086  }
0x25: {  	[simem:s6], [sflag:s4] =	dma.local [hbm:s3], $0xF7A  }
0x26: {  	[smem:$0x3F9B] =	sst s1;
	(tag) =	ssettag s2;
	_ =	strace s9  }
0x27: {  	s1 =	sld [smem:$0x3FAB]  }
0x28: {  	s2 =	sld [smem:$0x3FAC]  }
0x29: {  	s4 =	sld [smem:$0x3FAE]  }
0x2a: {  	p0 =	seq.s32 s5, $0x0;
	s5 =	sld [smem:$0x3FAF]  }
0x2b: {  	s6 =	sld [smem:$0x3FB0]  }
0x2c: {  	s7 =	sld [smem:$0x3FB1]  }
0x2d: {  	s3 =	simm.s32 $0x108;
	s8 =	sld [smem:$0x3FB2]  }
0x2e: {  	s3 =	simm.s32 @!p0 $0x1082;
	s9 =	sld [smem:$0x3FB3]  }
0x2f: {  	lr =	sadd.s32 s0, s3;
	s0 =	sld [smem:$0x3FAA]  }
0x30: {  	s3 =	sld [smem:$0x3FAD]  }
0x31: {  	[smem:$0x3FB6] =	sst s10  }
0x32: {  	s10 =	sld [smem:$0x3FB4];
	_ =	sdelay $0x3  }
0x33: {  	p0 =	seq.s32 s10, $0x1;
	s10 =	sld [smem:$0x3FB6];
	_ =	sdelay $0x3  }
0x34: {  	[smem:$0x3FB6] =	sst s10  }
0x35: {  	s10 =	sld [smem:$0x3FB5];
	_ =	sdelay $0x3  }
0x36: {  	p1 =	seq.s32 s10, $0x1;
	s10 =	sld [smem:$0x3FB6];
	_ =	sdelay $0x3  }
0x37: {  	[smem:$0x3FB6] =	sst s10  }
0x38: {  	s10 =	sld [smem:$0x3FB7]  }
0x39: {  	_ = 	snop;
	(pc) =	sbr.ind lr, $3  }
0x3a: {  	_ = 	snop  }
0x3b: {  	_ = 	snop  }
0x3c: {  	p2 =	seq.s32 s10, $0x1;
	s10 =	sld [smem:$0x3FB6]  }
0x3d: {  	_ =	shalt  }
0x3e: {  	_ =	shalt  }
0x3f: {  	_ =	shalt  }
0x40: {  	_ =	shalt  }
0x41: {  	_ =	shalt  }
0x42: {  	_ =	shalt  }
0x43: {  	_ =	shalt  }
0x44: {  	_ =	shalt  }
0x45: {  	_ =	shalt  }
0x46: {  	_ =	shalt  }
0x47: {  	_ =	shalt  }
0x48: {  	_ =	shalt  }
0x49: {  	_ =	shalt  }
0x4a: {  	_ =	shalt  }
0x4b: {  	_ =	shalt  }
0x4c: {  	_ =	shalt  }
0x4d: {  	_ =	shalt  }
0x4e: {  	_ =	shalt  }
0x4f: {  	_ =	shalt  }
0x50: {  	_ =	shalt  }
0x51: {  	_ =	shalt  }
0x52: {  	_ =	shalt  }
0x53: {  	_ =	shalt  }
0x54: {  	_ =	shalt  }
0x55: {  	_ =	shalt  }
0x56: {  	_ =	shalt  }
0x57: {  	_ =	shalt  }
0x58: {  	_ =	shalt  }
0x59: {  	_ =	shalt  }
0x5a: {  	_ =	shalt  }
0x5b: {  	_ =	shalt  }
0x5c: {  	_ =	shalt  }
0x5d: {  	_ =	shalt  }
0x5e: {  	_ =	shalt  }
0x5f: {  	_ =	shalt  }
0x60: {  	_ =	shalt  }
0x61: {  	_ =	shalt  }
0x62: {  	_ =	shalt  }
0x63: {  	_ =	shalt  }
0x64: {  	_ =	shalt  }
0x65: {  	_ =	shalt  }
0x66: {  	_ =	shalt  }
0x67: {  	_ =	shalt  }
0x68: {  	_ =	shalt  }
0x69: {  	_ =	shalt  }
0x6a: {  	_ =	shalt  }
0x6b: {  	_ =	shalt  }
0x6c: {  	_ =	shalt  }
0x6d: {  	_ =	shalt  }
0x6e: {  	_ =	shalt  }
0x6f: {  	_ =	shalt  }
0x70: {  	_ =	shalt  }
0x71: {  	_ =	shalt  }
0x72: {  	_ =	shalt  }
0x73: {  	_ =	shalt  }
0x74: {  	_ =	shalt  }
0x75: {  	_ =	shalt  }
0x76: {  	_ =	shalt  }
0x77: {  	_ =	shalt  }
0x78: {  	_ =	shalt  }
0x79: {  	_ =	shalt  }
0x7a: {  	_ =	shalt  }
0x7b: {  	_ =	shalt  }
0x7c: {  	_ =	shalt  }
0x7d: {  	_ =	shalt  }
0x7e: {  	_ =	shalt  }
0x7f: {  	_ =	shalt  }
0x80: {  	_ =	shalt  }
0x81: {  	_ =	shalt  }
0x82: {  	_ =	shalt  }
0x83: {  	_ =	shalt  }
0x84: {  	_ =	shalt  }
0x85: {  	_ =	shalt  }
0x86: {  	_ =	shalt  }
0x87: {  	_ =	shalt  }
.Lfunc_end0:
.L_simem_size_0:
called_computation.2_lowered:
.L_overlay_start_0:
0x88: {  	s2 =	sld [smem:$0x3FD9]  }
0x89: {  	s3 =	sld [smem:$0x3FFE];
	_ =	sdelay $0x1  }
0x8a: {  	s1 =	srdreg.scid  }
0x8b: {  	s0 =	sand.u32 $0x1, s1  }
0x8c: {  	s16 =	sshll.u32 s0, $0xA;
	s2 =	sadd.s32 s3, s2  }
0x8d: {  	s2 =	sadd.s32 s2, s16  }
0x8e: {  	[smem:$0x3FC2] =	sst s2  }
0x8f: {  	_ = 	snop  }
0x90: {  	(tm) =	ssettm $0x1  }
0x91: {  	s17 =	sld [smem:$0x3FFB];
	_ =	sdelay $0x3  }
0x92: {  	_ =	strace s17  }
0x93: {  	s2 =	sld [smem:$0x3FFC];
	_ =	sdelay $0x3  }
0x94: {  	_ =	strace s2  }
0x95: {  	s2 =	sld [smem:$0x3FFD];
	_ =	sdelay $0x3  }
0x96: {  	_ =	strace s2  }
0x97: {  	_ =	strace $0x8FFFFFFF  }
0x98: {  	s18 =	sld [smem:$0x3FDB];
	_ =	sdelay $0x1  }
0x99: {  	s19 =	simm.s32 $_scs_section_size  }
0x9a: {  	s4 =	simm.s32 $_size__tile_overlayer_lowered;
	s5 =	simm.s32 $_tile_overlayer_lowered  }
0x9b: {  	s22 =	simm.s32 $0x1BFF;
	s21 =	sshll.u32 s5, $0x1;
	s2 =	sadd.s32 s19, s18  }
0x9c: {  	s6 =	simm.s32 $0x0;
	s20 =	sshll.u32 s4, $0x1;
	s4 =	sadd.s32 s21, s2  }
0x9d: {  	[timem:s6], [sflag:s22] =	dma.local [hbm:s4], s20  }
0x9e: {  	_ =	swait.ge [sflag:s22], s20  }
0x9f: {  	s3 =	ssub.s32 $0x0, s20;
	[sflag:s22] =	ssyncset.done $0x0  }
0xa0: {  	[sflag:s22] =	ssyncadd.s32 s3;
	_ =	sdelay $0x1  }
0xa1: {  	s23 =	simm.s32 $0x1B8B  }
0xa2: {  	_ =	swait.ge [sflag:s23], $0x1  }
0xa3: {  	[sflag:s23] =	ssyncset.done $0x0  }
0xa4: {  	s25 =	simm.s32 $0x1B8E;
	s24 =	sld [smem:$0x3FFE];
	[sflag:s23] =	ssyncadd.s32 $0xFFFFFFFF  }
0xa5: {  	s26 =	simm.s32 $execute0_lowered;
	[smem:$0x3FD2] =	sst s25  }
0xa6: {  	s4 =	sshll.u32 s26, $0x1;
	_ =	strace $0x8000004C;
	[dreg:$0x1] =	wrdreg $0xFFFFFFFF  }
0xa7: {  	s28 =	simm.s32 $_size_execute0_lowered;
	s2 =	sadd.s32 s2, s4;
	[dreg:$0x0] =	wrdreg $0x0  }
0xa8: {  	s4 =	sshll.u32 s28, $0x1;
	[dreg:$0x2] =	wrdreg s2  }
0xa9: {  	[dreg:$0x3] =	wrdreg s4  }
0xaa: {  	[dreg:$0x4] =	wrdreg $0xC0  }
0xab: {  	_ =	task [dreg:s6], $0x5FFFF  }
0xac: {  	[dreg:$0x1] =	wrdreg $0xFFFFFFFF  }
0xad: {  	[dreg:$0x0] =	wrdreg $0x60  }
0xae: {  	[dreg:$0x2] =	wrdreg s24  }
0xaf: {  	[dreg:$0x3] =	wrdreg $0x19C000  }
0xb0: {  	[dreg:$0x4] =	wrdreg $0x13A000  }
0xb1: {  	[dreg:$0x5] =	wrdreg $0x9  }
0xb2: {  	_ =	task.clear_ibuf [dreg:s6], $0x6FFFF;
	_ =	strace $0x9000004C  }
0xb3: {  	s29 =	simm.s32 $0x9;
	_ =	strace $0x8000004E  }
0xb4: {  	_ =	swait.ge [sflag:s29], $0x1  }
0xb5: {  	[sflag:s29] =	ssyncadd.s32 $0xFFFFFFFF  }
0xb6: {  	_ =	strace $0x9000004E  }
0xb7: {  	_ =	sfence  }
0xb8: {  	s30 =	sld [smem:$0x0];
	_ =	sdelay $0x2  }
0xb9: {  	s31 =	sshll.u32 s1, $0xD;
	s1 =	sshrl.u32 s1, $0x2  }
0xba: {  	s3 =	sand.u32 $0x4000, s31;
	s1 =	sadd.s32 s1, s30  }
0xbb: {  	s0 =	sor.u32 s3, s0;
	s1 =	sshll.u32 s1, $0x11  }
0xbc: {  	s0 =	sor.u32 s1, s0  }
0xbd: {  	s0 =	sadd.s32 $0x8F2B, s0  }
0xbe: {  	[sflag:s0] =	ssyncadd.remote.s32 $0x1  }
0xbf: {  	_ =	sfence.sel $0xFFFF  }
0xc0: {  	[dreg:$0x0] =	wrdreg $0xFFFFFFFF;
	(pc) =	sbr.abs _section_cstart, $3  }
0xc1: {  	[dreg:$0x1] =	wrdreg $0xFFFFFFFF  }
0xc2: {  	_ =	task.clear_ibuf [dreg:s6], $0x2FFFF;
	_ =	strace $0x9FFFFFFF  }
0xc3: {  	(tm) =	ssettm $0x7FFFFFFF  }
tec
execute0_lowered:
.L_overlay_start_1:
0x0: {  	(tag) =	ssettag $0x1  }
0x1: {  	s1 =	rddreg [dreg:$0x0]  }
0x2: {  	s0 =	srdreg.scid;
	s2 =	rddreg [dreg:$0x1]  }
0x3: {  	s6 =	stileid.u32;
	s3 =	rddreg [dreg:$0x2];
	s13 =	simm.s32 $0x5  }
0x4: {  	s15 =	simm.s32 $0xD800;
	s16 =	simm.s32 $0x80;
	s17 =	simm.s32 $0xC800  }
0x5: {  	s18 =	simm.s32 $0xCC00;
	s20 =	simm.s32 $0xD000;
	s21 =	simm.s32 $0x180  }
0x6: {  	s22 =	simm.s32 $0xD400;
	s23 =	simm.s32 $0x1;
	s24 =	simm.s32 $0x2  }
0x7: {  	s28 =	simm.s32 $0xC600;
	s29 =	simm.s32 $0xC680;
	s30 =	simm.s32 $0xC700  }
0x8: {  	s31 =	simm.s32 $0xC780;
	s0 =	sand.u32 $0x1, s0;
	s10 =	smul.u32 $0x6200, s6  }
0x9: {  	s4 =	sshll.u32 s0, $0x4;
	s8 =	ssub.s32 $0x2, s0;
	s0 =	smul.u32 $0xC400, s0  }
0xa: {  	s5 =	sor.u32 s6, s4;
	s4 =	simm.s32 $0x0;
	s6 =	smul.u32 $0xC40, s6  }
0xb: {  	s25 =	sshrl.u32 s10, $0x3;
	s26 =	sshrl.u32 s8, $0x1;
	s5 =	smul.u32 $0xC80, s5  }
0xc: {  	[smem:$0x7FF] =	sst s4;
	s9 =	sadd.s32 s25, s1;
	s12 =	ssub.s32 s8, s26  }
0xd: {  	s8 =	sadd.s32 s10, s2;
	s10 =	sadd.s32 s10, s3;
	s25 =	simm.s32 $0x3  }
0xe: {  	s26 =	simm.s32 $0x4;
	_ =	strace $0x8000004D;
	s7 =	sadd.s32 s5, s1  }
0xf: {  	s12 =	smax.u32 s12, $0x1;
	s1 =	sadd.s32 s6, s1;
	s5 =	sadd.s32 $0xE1C00, s7  }
0x10: {  	s6 =	sadd.s32 $0x1A00, s7;
	s7 =	sadd.s32 $0x1AA00, s9;
	s0 =	sadd.s32 s0, s1  }
0x11: {  	s9 =	sadd.s32 $0x26E00, s9;
	s1 =	simm.s32 $0x0;
	s11 =	sadd.s32 $0x33200, s0  }
.LBB2_1:
0x12: {  	[tilespmem:s4], [sflag:$0x5] =	stream.linear.gather [hbm4b:s5+s4], $0x6400, $0x38;
	[tilespmem:$0x1FE00] =	vst v63  }
0x13: {  	_ =	swait.ge [sflag:s13], $0x6400  }
0x14: {  	[sflag:s13] =	ssyncset.done $0x0  }
0x15: {  	s0 =	simm.s32 $0x6400;
	[sflag:s13] =	ssyncadd.s32 $0xFFFF9C00  }
0x16: {  	[tilespmem:s0], [sflag:$0x5] =	stream.linear.gather [hbm4b:s6+s4], $0x6400, $0x38;
	[tilespmem:$0x1FE00] =	vst v63  }
0x17: {  	_ =	swait.ge [sflag:s13], $0x6400  }
0x18: {  	[sflag:s13] =	ssyncset.done $0x0  }
0x19: {  	[sflag:s13] =	ssyncadd.s32 $0xFFFF9C00  }
0x1a: {  	[tilespmem:s15], [sflag:$0x5] =	stream.linear.gather [hbm4b:s7+s4], $0x6200, $0x38;
	[tilespmem:$0x1FE00] =	vst v63  }
0x1b: {  	_ =	swait.ge [sflag:s13], $0x6200  }
0x1c: {  	[sflag:s13] =	ssyncset.done $0x0  }
0x1d: {  	[sflag:s13] =	ssyncadd.s32 $0xFFFF9E00  }
0x1e: {  	[spmem:s8] =	stream.linear.scatter [tilespmem:s15], [sflag:$0x5], $0x6200, $0x38;
	[tilespmem:$0x1FE00] =	vst v63  }
0x1f: {  	_ =	swait.ge [sflag:s13], $0x6200  }
0x20: {  	[sflag:s13] =	ssyncset.done $0x0  }
0x21: {  	[sflag:s13] =	ssyncadd.s32 $0xFFFF9E00  }
0x22: {  	[tilespmem:s15], [sflag:$0x5] =	stream.linear.gather [hbm4b:s9+s4], $0x6200, $0x38;
	[tilespmem:$0x1FE00] =	vst v63  }
0x23: {  	_ =	swait.ge [sflag:s13], $0x6200  }
0x24: {  	[sflag:s13] =	ssyncset.done $0x0  }
0x25: {  	[sflag:s13] =	ssyncadd.s32 $0xFFFF9E00  }
0x26: {  	[spmem:s10] =	stream.linear.scatter [tilespmem:s15], [sflag:$0x5], $0x6200, $0x38;
	[tilespmem:$0x1FE00] =	vst v63  }
0x27: {  	_ =	swait.ge [sflag:s13], $0x6200  }
0x28: {  	[sflag:s13] =	ssyncset.done $0x0  }
0x29: {  	[sflag:s13] =	ssyncadd.s32 $0xFFFF9E00  }
0x2a: {  	[bflag:$0x0] =	sbarrier.arrive $0xFFFF  }
0x2b: {  	[tilespmem:s17], [sflag:$0x1] =	stream.indirect.gather [spmem:s2], $0x8, s4, s16, $0xb8;
	[tilespmem:$0x1FE00] =	vst v63  }
0x2c: {  	_ = 	snop  }
0x2d: {  	[tilespmem:s18], [sflag:$0x2] =	stream.indirect.gather [spmem:s2], $0x8, s16, s16, $0xb8;
	[tilespmem:$0x1FE00] =	vst v63  }
0x2e: {  	s14 =	simm.s32 $0x100  }
0x2f: {  	[tilespmem:s20], [sflag:$0x3] =	stream.indirect.gather [spmem:s2], $0x8, s14, s16, $0xb8;
	[tilespmem:$0x1FE00] =	vst v63  }
0x30: {  	_ = 	snop  }
0x31: {  	[tilespmem:s22], [sflag:$0x4] =	stream.indirect.gather [spmem:s2], $0x8, s21, s16, $0xb8;
	[tilespmem:$0x1FE00] =	vst v63  }
0x32: {  	_ =	swait.ge [sflag:s23], $0x400  }
0x33: {  	[sflag:s23] =	ssyncset.done $0x0  }
0x34: {  	s19 =	simm.s32 $0x6400;
	[sflag:s23] =	ssyncadd.s32 $0xFFFFFC00  }
0x35: {  	[spmem:s3] =	stream.indirect.scatter.add.f32 [tilespmem:s17], [sflag:$0x5], $0x8, s19, s16, $0xb8;
	[tilespmem:$0x1FE00] =	vst v63  }
0x36: {  	_ =	swait.ge [sflag:s13], $0x400  }
0x37: {  	[sflag:s13] =	ssyncset.done $0x0  }
0x38: {  	s14 =	simm.s32 $0x200;
	[sflag:s13] =	ssyncadd.s32 $0xFFFFFC00  }
0x39: {  	[tilespmem:s17], [sflag:$0x1] =	stream.indirect.gather [spmem:s2], $0x8, s14, s16, $0xb8;
	[tilespmem:$0x1FE00] =	vst v63  }
0x3a: {  	_ =	swait.ge [sflag:s24], $0x400  }
0x3b: {  	[sflag:s24] =	ssyncset.done $0x0  }
0x3c: {  	s19 =	simm.s32 $0x6480;
	[sflag:s24] =	ssyncadd.s32 $0xFFFFFC00  }
0x3d: {  	[spmem:s3] =	stream.indirect.scatter.add.f32 [tilespmem:s18], [sflag:$0x5], $0x8, s19, s16, $0xb8;
	[tilespmem:$0x1FE00] =	vst v63  }
0x3e: {  	_ =	swait.ge [sflag:s13], $0x400  }
0x3f: {  	[sflag:s13] =	ssyncset.done $0x0  }
0x40: {  	s14 =	simm.s32 $0x280;
	[sflag:s13] =	ssyncadd.s32 $0xFFFFFC00  }
0x41: {  	[tilespmem:s18], [sflag:$0x2] =	stream.indirect.gather [spmem:s2], $0x8, s14, s16, $0xb8;
	[tilespmem:$0x1FE00] =	vst v63  }
0x42: {  	_ =	swait.ge [sflag:s25], $0x400  }
0x43: {  	[sflag:s25] =	ssyncset.done $0x0  }
0x44: {  	s19 =	simm.s32 $0x6500;
	[sflag:s25] =	ssyncadd.s32 $0xFFFFFC00  }
0x45: {  	[spmem:s3] =	stream.indirect.scatter.add.f32 [tilespmem:s20], [sflag:$0x5], $0x8, s19, s16, $0xb8;
	[tilespmem:$0x1FE00] =	vst v63  }
0x46: {  	_ =	swait.ge [sflag:s13], $0x400  }
0x47: {  	[sflag:s13] =	ssyncset.done $0x0  }
0x48: {  	s14 =	simm.s32 $0x300;
	[sflag:s13] =	ssyncadd.s32 $0xFFFFFC00  }
0x49: {  	[tilespmem:s20], [sflag:$0x3] =	stream.indirect.gather [spmem:s2], $0x8, s14, s16, $0xb8;
	[tilespmem:$0x1FE00] =	vst v63  }
0x4a: {  	_ =	swait.ge [sflag:s26], $0x400  }
0x4b: {  	[sflag:s26] =	ssyncset.done $0x0  }
0x4c: {  	s19 =	simm.s32 $0x6580;
	[sflag:s26] =	ssyncadd.s32 $0xFFFFFC00  }
0x4d: {  	[spmem:s3] =	stream.indirect.scatter.add.f32 [tilespmem:s22], [sflag:$0x5], $0x8, s19, s16, $0xb8;
	[tilespmem:$0x1FE00] =	vst v63  }
0x4e: {  	_ =	swait.ge [sflag:s13], $0x400  }
0x4f: {  	[sflag:s13] =	ssyncset.done $0x0  }
0x50: {  	s0 =	simm.s32 $0x800;
	s14 =	simm.s32 $0x380;
	[sflag:s13] =	ssyncadd.s32 $0xFFFFFC00  }
.LBB2_2:
0x51: {  	[tilespmem:s22], [sflag:$0x4] =	stream.indirect.gather [spmem:s2], $0x8, s14, s16, $0xb8;
	[tilespmem:$0x1FE00] =	vst v63  }
0x52: {  	s14 =	smov.u32 s0  }
0x53: {  	p0 =	sne.s32 s0, $0x18000;
	s0 =	sadd.s32 $0x800, s0;
	_ =	swait.ge [sflag:s23], $0x400  }
0x54: {  	s14 =	sshra.s32 s14, $0x2;
	[sflag:s23] =	ssyncset.done $0x0  }
0x55: {  	s19 =	sadd.s32 $0x6400, s14;
	[sflag:s23] =	ssyncadd.s32 $0xFFFFFC00  }
0x56: {  	[spmem:s3] =	stream.indirect.scatter.add.f32 [tilespmem:s17], [sflag:$0x5], $0x8, s19, s16, $0xb8;
	[tilespmem:$0x1FE00] =	vst v63  }
0x57: {  	_ =	swait.ge [sflag:s13], $0x400  }
0x58: {  	[sflag:s13] =	ssyncset.done $0x0  }
0x59: {  	s19 =	sadd.s32 $0x200, s14;
	[sflag:s13] =	ssyncadd.s32 $0xFFFFFC00  }
0x5a: {  	[tilespmem:s17], [sflag:$0x1] =	stream.indirect.gather [spmem:s2], $0x8, s19, s16, $0xb8;
	[tilespmem:$0x1FE00] =	vst v63  }
0x5b: {  	_ =	swait.ge [sflag:s24], $0x400  }
0x5c: {  	[sflag:s24] =	ssyncset.done $0x0  }
0x5d: {  	s19 =	sadd.s32 $0x6480, s14;
	[sflag:s24] =	ssyncadd.s32 $0xFFFFFC00  }
0x5e: {  	[spmem:s3] =	stream.indirect.scatter.add.f32 [tilespmem:s18], [sflag:$0x5], $0x8, s19, s16, $0xb8;
	[tilespmem:$0x1FE00] =	vst v63  }
0x5f: {  	_ =	swait.ge [sflag:s13], $0x400  }
0x60: {  	[sflag:s13] =	ssyncset.done $0x0  }
0x61: {  	s19 =	sadd.s32 $0x280, s14;
	[sflag:s13] =	ssyncadd.s32 $0xFFFFFC00  }
0x62: {  	[tilespmem:s18], [sflag:$0x2] =	stream.indirect.gather [spmem:s2], $0x8, s19, s16, $0xb8;
	[tilespmem:$0x1FE00] =	vst v63  }
0x63: {  	_ =	swait.ge [sflag:s25], $0x400  }
0x64: {  	[sflag:s25] =	ssyncset.done $0x0  }
0x65: {  	s19 =	sadd.s32 $0x6500, s14;
	[sflag:s25] =	ssyncadd.s32 $0xFFFFFC00  }
0x66: {  	[spmem:s3] =	stream.indirect.scatter.add.f32 [tilespmem:s20], [sflag:$0x5], $0x8, s19, s16, $0xb8;
	[tilespmem:$0x1FE00] =	vst v63  }
0x67: {  	_ =	swait.ge [sflag:s13], $0x400  }
0x68: {  	[sflag:s13] =	ssyncset.done $0x0  }
0x69: {  	s19 =	sadd.s32 $0x300, s14;
	[sflag:s13] =	ssyncadd.s32 $0xFFFFFC00  }
0x6a: {  	[tilespmem:s20], [sflag:$0x3] =	stream.indirect.gather [spmem:s2], $0x8, s19, s16, $0xb8;
	[tilespmem:$0x1FE00] =	vst v63  }
0x6b: {  	_ =	swait.ge [sflag:s26], $0x400  }
0x6c: {  	[sflag:s26] =	ssyncset.done $0x0  }
.Ltmp0:
0x6d: {  	s19 =	sadd.s32 $0x6580, s14;
	[sflag:s26] =	ssyncadd.s32 $0xFFFFFC00;
	(pc) =	sbr.rel @p0 .LBB2_2-.Ltmp0, $4  }
0x6e: {  	[spmem:s3] =	stream.indirect.scatter.add.f32 [tilespmem:s22], [sflag:$0x5], $0x8, s19, s16, $0xb8;
	[tilespmem:$0x1FE00] =	vst v63  }
0x6f: {  	_ =	swait.ge [sflag:s13], $0x400  }
0x70: {  	[sflag:s13] =	ssyncset.done $0x0  }
0x71: {  	s14 =	sadd.s32 $0x380, s14;
	[sflag:s13] =	ssyncadd.s32 $0xFFFFFC00  }
0x72: {  	[tilespmem:s22], [sflag:$0x4] =	stream.indirect.gather [spmem:s2], $0x8, s14, s16, $0xb8;
	[tilespmem:$0x1FE00] =	vst v63  }
0x73: {  	_ =	swait.ge [sflag:s23], $0x400  }
0x74: {  	[sflag:s23] =	ssyncset.done $0x0  }
0x75: {  	[sflag:s23] =	ssyncadd.s32 $0xFFFFFC00  }
0x76: {  	[spmem:s3] =	stream.indirect.scatter.add.f32 [tilespmem:s17], [sflag:$0x5], $0x8, s28, s16, $0xb8;
	[tilespmem:$0x1FE00] =	vst v63  }
0x77: {  	_ =	swait.ge [sflag:s13], $0x400  }
0x78: {  	[sflag:s13] =	ssyncset.done $0x0  }
0x79: {  	[sflag:s13] =	ssyncadd.s32 $0xFFFFFC00  }
0x7a: {  	_ =	swait.ge [sflag:s24], $0x400  }
0x7b: {  	[sflag:s24] =	ssyncset.done $0x0  }
0x7c: {  	[sflag:s24] =	ssyncadd.s32 $0xFFFFFC00  }
0x7d: {  	[spmem:s3] =	stream.indirect.scatter.add.f32 [tilespmem:s18], [sflag:$0x5], $0x8, s29, s16, $0xb8;
	[tilespmem:$0x1FE00] =	vst v63  }
0x7e: {  	_ =	swait.ge [sflag:s13], $0x400  }
0x7f: {  	[sflag:s13] =	ssyncset.done $0x0  }
0x80: {  	[sflag:s13] =	ssyncadd.s32 $0xFFFFFC00  }
0x81: {  	_ =	swait.ge [sflag:s25], $0x400  }
0x82: {  	[sflag:s25] =	ssyncset.done $0x0  }
0x83: {  	[sflag:s25] =	ssyncadd.s32 $0xFFFFFC00  }
0x84: {  	[spmem:s3] =	stream.indirect.scatter.add.f32 [tilespmem:s20], [sflag:$0x5], $0x8, s30, s16, $0xb8;
	[tilespmem:$0x1FE00] =	vst v63  }
0x85: {  	_ =	swait.ge [sflag:s13], $0x400  }
0x86: {  	[sflag:s13] =	ssyncset.done $0x0  }
0x87: {  	[sflag:s13] =	ssyncadd.s32 $0xFFFFFC00  }
0x88: {  	_ =	swait.ge [sflag:s26], $0x400  }
0x89: {  	[sflag:s26] =	ssyncset.done $0x0  }
0x8a: {  	[sflag:s26] =	ssyncadd.s32 $0xFFFFFC00  }
0x8b: {  	[spmem:s3] =	stream.indirect.scatter.add.f32 [tilespmem:s22], [sflag:$0x5], $0x8, s31, s16, $0xb8;
	[tilespmem:$0x1FE00] =	vst v63  }
0x8c: {  	_ =	swait.ge [sflag:s13], $0x400  }
0x8d: {  	[sflag:s13] =	ssyncset.done $0x0  }
0x8e: {  	[sflag:s13] =	ssyncadd.s32 $0xFFFFFC00  }
0x8f: {  	[bflag:$0x0] =	sbarrier.arrive $0xFFFF  }
0x90: {  	[tilespmem:s15], [sflag:$0x5] =	stream.linear.gather [spmem:s10], $0x6200, $0x38;
	[tilespmem:$0x1FE00] =	vst v63  }
0x91: {  	s1 =	sadd.s32 $0x1, s1;
	_ =	swait.ge [sflag:s13], $0x6200  }
0x92: {  	p0 =	sne.s32 s1, s12;
	[sflag:s13] =	ssyncset.done $0x0  }
.Ltmp1:
0x93: {  	[sflag:s13] =	ssyncadd.s32 $0xFFFF9E00;
	(pc) =	sbr.rel @p0 .LBB2_1-.Ltmp1, $4  }
0x94: {  	[hbm4b:s11+s4] =	stream.linear.scatter [tilespmem:s15], [sflag:$0x5], $0x6200, $0x38;
	[tilespmem:$0x1FE00] =	vst v63  }
0x95: {  	_ =	swait.ge [sflag:s13], $0x6200  }
0x96: {  	[sflag:s13] =	ssyncset.done $0x0  }
0x97: {  	[sflag:s13] =	ssyncadd.s32 $0xFFFF9E00  }
0x98: {  	_ =	sfence.sel $0x180000  }
0x99: {  	[bflag:$0x0] =	sbarrier.arrive $0xFFFF  }
0x9a: {  	_ =	strace $0x9000004D  }
0x9b: {  	s0 =	stileid.u32;
	[bflag:$0x2] =	sbarrier.arrive $0xFFFF  }
0x9c: {  	p0 =	sne.s32 s0, $0x0;
	s0 =	rddreg [dreg:$0x3]  }
0x9d: {  	s0 =	sadd.s32 @!p0 $0x100000, s0  }
0x9e: {  	[sflag:s0] =	ssyncadd.tile.s32 @!p0 $0x1;
	_ =	shalt  }
.Lfunc_end2:
_tile_overlayer_lowered:
.L_overlay_start_2:
0x9f: {  	(tag) =	ssettag $0x2  }
0xa0: {  	s0 =	rddreg [dreg:$0x0];
	s2 =	stileid.u32  }
0xa1: {  	s1 =	rddreg [dreg:$0x1];
	p0 =	sne.s32 s2, $0x0  }
0xa2: {  	s3 =	rddreg [dreg:$0x2];
	[bflag:$0x3] =	sbarrier.arrive $0xFFFF;
	s2 =	simm.s32 @!p0 $0x1C05  }
0xa3: {  	[timem:s3], [sflag:s2] =	dma.local @!p0 [hbm:s0], s1  }
0xa4: {  	s0 =	simm.s32 @!p0 $0x5  }
0xa5: {  	_ =	swait.ge @!p0 [sflag:s0], s1  }
0xa6: {  	s1 =	ssub.s32 @!p0 $0x0, s1;
	[sflag:s0] =	ssyncset.done @!p0 $0x0  }
0xa7: {  	[sflag:s0] =	ssyncadd.s32 @!p0 s1  }
0xa8: {  	[bflag:$0x3] =	sbarrier.arrive $0xFFFF  }
0xa9: {  	_ =	shalt  }

// kernel: kernel.8.cloned.1.call-start
scs
__scs_entry_jumppad:
0x0: {  	(pc) =	sbr.rel $0x88, $3  }
0x1: {  	(tag) =	ssettag $0x0;
	lr =	simm.s32 $0x1  }
0x2: {  	[smem:$0x3F9B] =	sst lr;
	_ =	strace $0xD0000000  }
0x3: {  	_ = 	snop  }
0x4: {  	_ = 	snop  }
0x5: {  	_ = 	snop  }
0x6: {  	_ = 	snop  }
0x7: {  	_ = 	snop  }
__scs_overlays_trampoline_lowered:
0x8: {  	[smem:$0x3FAA] =	sst s0  }
0x9: {  	[smem:$0x3FAB] =	sst s1  }
0xa: {  	[smem:$0x3FAC] =	sst s2  }
0xb: {  	[smem:$0x3FAD] =	sst s3  }
0xc: {  	[smem:$0x3FAE] =	sst s4  }
0xd: {  	[smem:$0x3FAF] =	sst s5  }
0xe: {  	[smem:$0x3FB0] =	sst s6  }
0xf: {  	[smem:$0x3FB1] =	sst s7  }
0x10: {  	[smem:$0x3FB2] =	sst s8  }
0x11: {  	[smem:$0x3FB3] =	sst s9;
	s0 =	simm.s32 @!p0 $0x0  }
0x12: {  	s1 =	sld [smem:$0x3F99];
	s0 =	simm.s32 @p0 $0x1  }
0x13: {  	[smem:$0x3FB4] =	sst s0;
	s0 =	simm.s32 @!p1 $0x0  }
0x14: {  	s2 =	sld [smem:$0x3F98];
	s0 =	simm.s32 @p1 $0x1  }
0x15: {  	[smem:$0x3FB5] =	sst s0;
	s0 =	simm.s32 @!p2 $0x0  }
0x16: {  	s3 =	sld [smem:$0x3FDB];
	s0 =	simm.s32 @p2 $0x1  }
0x17: {  	s4 =	simm.s32 $0x1BF5;
	[smem:$0x3FB7] =	sst s0  }
0x18: {  	s0 =	sld [smem:$0x3F9A];
	_ =	swait.ge [sflag:s4], $0x0  }
0x19: {  	s7 =	sld [smem:$0x3F9B]  }
0x1a: {  	s8 =	sadd.s32 $0xFFFFE003, lr  }
0x1b: {  	s9 =	sadd.s32 $0xFFFFFEF7, lr;
	s5 =	simm.s32 $0xFFFFFFFF;
	p2 =	slt.u32 s8, $0xFFFFF086  }
0x1c: {  	p1 =	slt.u32 s9, $0xF7A;
	s5 =	simm.s32 @!p2 $0x0  }
0x1d: {  	s5 =	simm.s32 @p1 $0x1;
	p0 =	seq.s32 s7, s2  }
0x1e: {  	s7 =	smul.u32 @!p0 $0xF7A, s2;
	p2 =	seq.s32 @!p0 s5, $0x0  }
0x1f: {  	s9 =	smul.u32 $0xF7A, s1;
	s8 =	simm.s32 @!p0 $0x1BF5;
	p2 =	por !p2, p0  }
0x20: {  	[sflag:s8] =	ssyncset.s32 @!p0 $0xFFFFF086;
	s6 =	sadd.s32 @!p0 s3, s7;
	s7 =	simm.s32 @!p0 $0x108  }
0x21: {  	s3 =	sadd.s32 s3, s9;
	s6 =	sadd.s32 @!p0 $0x88, s6;
	s7 =	simm.s32 @p2 $0x1082  }
0x22: {  	[simem:s7], [sflag:s8] =	dma.local @!p0 [hbm:s6], $0xF7A  }
0x23: {  	s9 =	sor.u32 $0xD0000000, s2;
	s6 =	simm.s32 $0x108;
	_ =	swait.ge @!p0 [sflag:s8], $0x0  }
0x24: {  	s3 =	sadd.s32 $0x88, s3;
	s6 =	simm.s32 @!p1 $0x1082;
	[sflag:s4] =	ssyncset.s32 $0xFFFFF086  }
0x25: {  	[simem:s6], [sflag:s4] =	dma.local [hbm:s3], $0xF7A  }
0x26: {  	[smem:$0x3F9B] =	sst s1;
	(tag) =	ssettag s2;
	_ =	strace s9  }
0x27: {  	s1 =	sld [smem:$0x3FAB]  }
0x28: {  	s2 =	sld [smem:$0x3FAC]  }
0x29: {  	s4 =	sld [smem:$0x3FAE]  }
0x2a: {  	p0 =	seq.s32 s5, $0x0;
	s5 =	sld [smem:$0x3FAF]  }
0x2b: {  	s6 =	sld [smem:$0x3FB0]  }
0x2c: {  	s7 =	sld [smem:$0x3FB1]  }
0x2d: {  	s3 =	simm.s32 $0x108;
	s8 =	sld [smem:$0x3FB2]  }
0x2e: {  	s3 =	simm.s32 @!p0 $0x1082;
	s9 =	sld [smem:$0x3FB3]  }
0x2f: {  	lr =	sadd.s32 s0, s3;
	s0 =	sld [smem:$0x3FAA]  }
0x30: {  	s3 =	sld [smem:$0x3FAD]  }
0x31: {  	[smem:$0x3FB6] =	sst s10  }
0x32: {  	s10 =	sld [smem:$0x3FB4];
	_ =	sdelay $0x3  }
0x33: {  	p0 =	seq.s32 s10, $0x1;
	s10 =	sld [smem:$0x3FB6];
	_ =	sdelay $0x3  }
0x34: {  	[smem:$0x3FB6] =	sst s10  }
0x35: {  	s10 =	sld [smem:$0x3FB5];
	_ =	sdelay $0x3  }
0x36: {  	p1 =	seq.s32 s10, $0x1;
	s10 =	sld [smem:$0x3FB6];
	_ =	sdelay $0x3  }
0x37: {  	[smem:$0x3FB6] =	sst s10  }
0x38: {  	s10 =	sld [smem:$0x3FB7]  }
0x39: {  	_ = 	snop;
	(pc) =	sbr.ind lr, $3  }
0x3a: {  	_ = 	snop  }
0x3b: {  	_ = 	snop  }
0x3c: {  	p2 =	seq.s32 s10, $0x1;
	s10 =	sld [smem:$0x3FB6]  }
0x3d: {  	_ =	shalt  }
0x3e: {  	_ =	shalt  }
0x3f: {  	_ =	shalt  }
0x40: {  	_ =	shalt  }
0x41: {  	_ =	shalt  }
0x42: {  	_ =	shalt  }
0x43: {  	_ =	shalt  }
0x44: {  	_ =	shalt  }
0x45: {  	_ =	shalt  }
0x46: {  	_ =	shalt  }
0x47: {  	_ =	shalt  }
0x48: {  	_ =	shalt  }
0x49: {  	_ =	shalt  }
0x4a: {  	_ =	shalt  }
0x4b: {  	_ =	shalt  }
0x4c: {  	_ =	shalt  }
0x4d: {  	_ =	shalt  }
0x4e: {  	_ =	shalt  }
0x4f: {  	_ =	shalt  }
0x50: {  	_ =	shalt  }
0x51: {  	_ =	shalt  }
0x52: {  	_ =	shalt  }
0x53: {  	_ =	shalt  }
0x54: {  	_ =	shalt  }
0x55: {  	_ =	shalt  }
0x56: {  	_ =	shalt  }
0x57: {  	_ =	shalt  }
0x58: {  	_ =	shalt  }
0x59: {  	_ =	shalt  }
0x5a: {  	_ =	shalt  }
0x5b: {  	_ =	shalt  }
0x5c: {  	_ =	shalt  }
0x5d: {  	_ =	shalt  }
0x5e: {  	_ =	shalt  }
0x5f: {  	_ =	shalt  }
0x60: {  	_ =	shalt  }
0x61: {  	_ =	shalt  }
0x62: {  	_ =	shalt  }
0x63: {  	_ =	shalt  }
0x64: {  	_ =	shalt  }
0x65: {  	_ =	shalt  }
0x66: {  	_ =	shalt  }
0x67: {  	_ =	shalt  }
0x68: {  	_ =	shalt  }
0x69: {  	_ =	shalt  }
0x6a: {  	_ =	shalt  }
0x6b: {  	_ =	shalt  }
0x6c: {  	_ =	shalt  }
0x6d: {  	_ =	shalt  }
0x6e: {  	_ =	shalt  }
0x6f: {  	_ =	shalt  }
0x70: {  	_ =	shalt  }
0x71: {  	_ =	shalt  }
0x72: {  	_ =	shalt  }
0x73: {  	_ =	shalt  }
0x74: {  	_ =	shalt  }
0x75: {  	_ =	shalt  }
0x76: {  	_ =	shalt  }
0x77: {  	_ =	shalt  }
0x78: {  	_ =	shalt  }
0x79: {  	_ =	shalt  }
0x7a: {  	_ =	shalt  }
0x7b: {  	_ =	shalt  }
0x7c: {  	_ =	shalt  }
0x7d: {  	_ =	shalt  }
0x7e: {  	_ =	shalt  }
0x7f: {  	_ =	shalt  }
0x80: {  	_ =	shalt  }
0x81: {  	_ =	shalt  }
0x82: {  	_ =	shalt  }
0x83: {  	_ =	shalt  }
0x84: {  	_ =	shalt  }
0x85: {  	_ =	shalt  }
0x86: {  	_ =	shalt  }
0x87: {  	_ =	shalt  }
.Lfunc_end0:
.L_simem_size_0:
called_computation_lowered:
.L_overlay_start_0:
0x88: {  	s2 =	sld [smem:$0x3FD9]  }
0x89: {  	s3 =	sld [smem:$0x3FFE];
	_ =	sdelay $0x1  }
0x8a: {  	s1 =	srdreg.scid  }
0x8b: {  	s0 =	sand.u32 $0x1, s1  }
0x8c: {  	s17 =	sshll.u32 s0, $0xA;
	s2 =	sadd.s32 s3, s2  }
0x8d: {  	s2 =	sadd.s32 s2, s17  }
0x8e: {  	[smem:$0x3FC2] =	sst s2  }
0x8f: {  	_ = 	snop  }
0x90: {  	s2 =	sld [smem:$0x3FD0];
	(tm) =	ssettm $0x1  }
0x91: {  	s18 =	sld [smem:$0x3FFB];
	_ =	sdelay $0x3  }
0x92: {  	_ =	strace s18  }
0x93: {  	s3 =	sld [smem:$0x3FFC];
	_ =	sdelay $0x3  }
0x94: {  	_ =	strace s3  }
0x95: {  	s3 =	sld [smem:$0x3FFD];
	_ =	sdelay $0x3  }
0x96: {  	_ =	strace s3  }
0x97: {  	_ =	strace $0x8FFFFFFF  }
0x98: {  	s19 =	sld [smem:$0x3FDB];
	_ =	sdelay $0x1  }
0x99: {  	s4 =	simm.s32 $_scs_section_size  }
0x9a: {  	s5 =	simm.s32 $_size__tile_overlayer_lowered;
	s6 =	simm.s32 $_tile_overlayer_lowered  }
0x9b: {  	s22 =	simm.s32 $0x1BFF;
	s21 =	sshll.u32 s6, $0x1;
	s3 =	sadd.s32 s4, s19  }
0x9c: {  	s7 =	simm.s32 $0x0;
	s20 =	sshll.u32 s5, $0x1;
	s5 =	sadd.s32 s21, s3  }
0x9d: {  	[timem:s7], [sflag:s22] =	dma.local [hbm:s5], s20  }
0x9e: {  	_ =	swait.ge [sflag:s22], s20  }
0x9f: {  	s4 =	ssub.s32 $0x0, s20;
	[sflag:s22] =	ssyncset.done $0x0  }
0xa0: {  	[sflag:s22] =	ssyncadd.s32 s4;
	_ =	sdelay $0x1  }
0xa1: {  	s23 =	simm.s32 $0x1B8B  }
0xa2: {  	_ =	swait.ge [sflag:s23], $0x1  }
0xa3: {  	[sflag:s23] =	ssyncset.done $0x0  }
0xa4: {  	s25 =	simm.s32 $0x1B8E;
	s24 =	sld [smem:$0x3FFE];
	[sflag:s23] =	ssyncadd.s32 $0xFFFFFFFF  }
0xa5: {  	s26 =	simm.s32 $execute0_lowered;
	[smem:$0x3FD2] =	sst s25  }
0xa6: {  	s5 =	sshll.u32 s26, $0x1;
	_ =	strace $0x80000046;
	[dreg:$0x1] =	wrdreg $0xFFFFFFFF  }
0xa7: {  	s28 =	simm.s32 $_size_execute0_lowered;
	s3 =	sadd.s32 s3, s5;
	[dreg:$0x0] =	wrdreg $0x0  }
0xa8: {  	s5 =	sshll.u32 s28, $0x1;
	[dreg:$0x2] =	wrdreg s3  }
0xa9: {  	[dreg:$0x3] =	wrdreg s5  }
0xaa: {  	[dreg:$0x4] =	wrdreg $0xC0  }
0xab: {  	_ =	task [dreg:s7], $0x5FFFF  }
0xac: {  	[dreg:$0x1] =	wrdreg $0xFFFFFFFF  }
0xad: {  	[dreg:$0x0] =	wrdreg $0x60  }
0xae: {  	[dreg:$0x2] =	wrdreg s24  }
0xaf: {  	[dreg:$0x3] =	wrdreg s2  }
0xb0: {  	[dreg:$0x4] =	wrdreg $0x70C00  }
0xb1: {  	[dreg:$0x5] =	wrdreg $0x9  }
0xb2: {  	_ =	task.clear_ibuf [dreg:s7], $0x6FFFF;
	_ =	strace $0x90000046  }
0xb3: {  	s29 =	simm.s32 $0x9;
	_ =	strace $0x80000048  }
0xb4: {  	_ =	swait.ge [sflag:s29], $0x1  }
0xb5: {  	[sflag:s29] =	ssyncadd.s32 $0xFFFFFFFF  }
0xb6: {  	_ =	strace $0x90000048  }
0xb7: {  	_ =	sfence  }
0xb8: {  	s30 =	sld [smem:$0x0];
	_ =	sdelay $0x2  }
0xb9: {  	s31 =	sshll.u32 s1, $0xD;
	s1 =	sshrl.u32 s1, $0x2  }
0xba: {  	s3 =	sand.u32 $0x4000, s31;
	s1 =	sadd.s32 s1, s30  }
0xbb: {  	s0 =	sor.u32 s3, s0;
	s1 =	sshll.u32 s1, $0x11  }
0xbc: {  	s0 =	sor.u32 s1, s0  }
0xbd: {  	s0 =	sadd.s32 $0x8F2B, s0  }
0xbe: {  	[sflag:s0] =	ssyncadd.remote.s32 $0x1  }
0xbf: {  	_ =	sfence.sel $0xFFFF  }
0xc0: {  	[dreg:$0x0] =	wrdreg $0xFFFFFFFF;
	(pc) =	sbr.abs _section_cstart, $3  }
0xc1: {  	[dreg:$0x1] =	wrdreg $0xFFFFFFFF  }
0xc2: {  	_ =	task.clear_ibuf [dreg:s7], $0x2FFFF;
	_ =	strace $0x9FFFFFFF  }
0xc3: {  	(tm) =	ssettm $0x7FFFFFFF  }
tec
execute0_lowered:
.L_overlay_start_1:
0x0: {  	(tag) =	ssettag $0x1  }
0x1: {  	s4 =	rddreg [dreg:$0x0]  }
0x2: {  	s1 =	srdreg.scid;
	s5 =	rddreg [dreg:$0x1]  }
0x3: {  	s0 =	stileid.u32;
	s2 =	rddreg [dreg:$0x2];
	s3 =	simm.s32 $0x0  }
0x4: {  	s11 =	simm.s32 $0x80;
	s12 =	simm.s32 $0x6400;
	s13 =	simm.s32 $0x0  }
0x5: {  	s6 =	sand.u32 $0x1, s1;
	s7 =	smul.u32 $0xC40, s0;
	s1 =	rddreg [dreg:$0x3]  }
0x6: {  	[smem:$0x7FF] =	sst s3;
	s8 =	sshll.u32 s6, $0x4;
	s9 =	smul.u32 $0xC400, s6  }
0x7: {  	_ =	strace $0x80000047;
	s6 =	ssub.s32 $0x2, s6;
	s8 =	sor.u32 s0, s8  }
0x8: {  	s30 =	sshrl.u32 s6, $0x1;
	s8 =	smul.u32 $0xC80, s8;
	s9 =	sadd.s32 s7, s9  }
0x9: {  	s31 =	sshrl.u32 s7, $0x3;
	s10 =	ssub.s32 s6, s30;
	s9 =	sshrl.u32 s9, $0x3  }
0xa: {  	s5 =	sadd.s32 s5, s31;
	s8 =	sadd.s32 s8, s4;
	s9 =	sadd.s32 s9, s4  }
0xb: {  	s6 =	sadd.s32 s7, s2;
	s4 =	sadd.s32 $0x1A00, s8;
	s7 =	sadd.s32 $0x1AA00, s9  }
0xc: {  	v0 =	vimm.f32 $1.000000000e+00;
	s8 =	smax.u32 s10, $0x1;
	s9 =	simm.s32 $0x1;
	s10 =	simm.s32 $0x6480  }
.LBB2_1:
0xd: {  	[tilespmem:s3], [sflag:$0x1] =	stream.linear.gather [hbm4b:s4+s3], $0x6400, $0x38;
	[tilespmem:$0x7D00] =	vst v63  }
0xe: {  	_ =	swait.ge [sflag:s9], $0x6400  }
0xf: {  	[sflag:s9] =	ssyncset.done $0x0  }
0x10: {  	[sflag:s9] =	ssyncadd.s32 $0xFFFF9C00  }
0x11: {  	[tilespmem:$0x6400] =	vst v0  }
0x12: {  	[tilespmem:$0x6410] =	vst v0  }
0x13: {  	[tilespmem:$0x6420] =	vst v0  }
0x14: {  	[tilespmem:$0x6430] =	vst v0  }
0x15: {  	[tilespmem:$0x6440] =	vst v0  }
0x16: {  	[tilespmem:$0x6450] =	vst v0  }
0x17: {  	[tilespmem:$0x6460] =	vst v0  }
0x18: {  	[tilespmem:$0x6470] =	vst v0  }
0x19: {  	[tilespmem:s10], [sflag:$0x1] =	stream.linear.gather [hbm4b:s5+s3], $0xC40, $0x38;
	[tilespmem:$0x7D00] =	vst v63  }
0x1a: {  	_ =	swait.ge [sflag:s9], $0xC40  }
0x1b: {  	[sflag:s9] =	ssyncset.done $0x0  }
0x1c: {  	[sflag:s9] =	ssyncadd.s32 $0xFFFFF3C0  }
0x1d: {  	[spmem:s6] =	stream.linear.scatter [tilespmem:s10], [sflag:$0x1], $0xC40, $0x38;
	[tilespmem:$0x7D00] =	vst v63  }
0x1e: {  	_ =	swait.ge [sflag:s9], $0xC40  }
0x1f: {  	[sflag:s9] =	ssyncset.done $0x0  }
0x20: {  	[sflag:s9] =	ssyncadd.s32 $0xFFFFF3C0  }
0x21: {  	s14 =	simm.s32 $0x0;
	[bflag:$0x0] =	sbarrier.arrive $0xFFFF  }
0x22: {  	[spmem:s2] =	stream.indirect.scatter.add.f32 [tilespmem:s12], [sflag:$0x1], $0x1, s14, s11, $0xb8;
	[tilespmem:$0x7D00] =	vst v63  }
0x23: {  	_ =	swait.ge [sflag:s9], $0x80  }
0x24: {  	s14 =	simm.s32 $0x200;
	[sflag:s9] =	ssyncset.done $0x0  }
.LBB2_2:
0x25: {  	s15 =	sshra.s32 s14, $0x2;
	[sflag:s9] =	ssyncadd.s32 $0xFFFFFF80;
	p0 =	sne.s32 s14, $0x18E00  }
0x26: {  	[spmem:s2] =	stream.indirect.scatter.add.f32 [tilespmem:s12], [sflag:$0x1], $0x1, s15, s11, $0xb8;
	[tilespmem:$0x7D00] =	vst v63  }
.Ltmp0:
0x27: {  	_ = 	snop;
	(pc) =	sbr.rel @p0 .LBB2_2-.Ltmp0, $4  }
0x28: {  	_ = 	snop  }
0x29: {  	s14 =	sadd.s32 $0x200, s14  }
0x2a: {  	_ =	swait.ge [sflag:s9], $0x80  }
0x2b: {  	[sflag:s9] =	ssyncset.done $0x0  }
0x2c: {  	[sflag:s9] =	ssyncadd.s32 $0xFFFFFF80  }
0x2d: {  	[bflag:$0x0] =	sbarrier.arrive $0xFFFF  }
0x2e: {  	[tilespmem:s10], [sflag:$0x1] =	stream.linear.gather [spmem:s6], $0xC40, $0x38;
	[tilespmem:$0x7D00] =	vst v63  }
0x2f: {  	s13 =	sadd.s32 $0x1, s13;
	_ =	swait.ge [sflag:s9], $0xC40  }
0x30: {  	p0 =	sne.s32 s13, s8;
	[sflag:s9] =	ssyncset.done $0x0  }
.Ltmp1:
0x31: {  	[sflag:s9] =	ssyncadd.s32 $0xFFFFF3C0;
	(pc) =	sbr.rel @p0 .LBB2_1-.Ltmp1, $4  }
0x32: {  	[hbm4b:s7+s3] =	stream.linear.scatter [tilespmem:s10], [sflag:$0x1], $0xC40, $0x38;
	[tilespmem:$0x7D00] =	vst v63  }
0x33: {  	_ =	swait.ge [sflag:s9], $0xC40  }
0x34: {  	[sflag:s9] =	ssyncset.done $0x0  }
0x35: {  	[sflag:s9] =	ssyncadd.s32 $0xFFFFF3C0  }
0x36: {  	_ =	sfence.sel $0x180000  }
0x37: {  	[bflag:$0x0] =	sbarrier.arrive $0xFFFF  }
0x38: {  	p0 =	sne.s32 s0, $0x0;
	_ =	strace $0x90000047  }
0x39: {  	s0 =	sadd.s32 @!p0 $0x100000, s1;
	[bflag:$0x2] =	sbarrier.arrive $0xFFFF  }
0x3a: {  	[sflag:s0] =	ssyncadd.tile.s32 @!p0 $0x1;
	_ =	shalt  }
.Lfunc_end2:
_tile_overlayer_lowered:
.L_overlay_start_2:
0x3b: {  	(tag) =	ssettag $0x2  }
0x3c: {  	s0 =	rddreg [dreg:$0x0];
	s2 =	stileid.u32  }
0x3d: {  	s1 =	rddreg [dreg:$0x1];
	p0 =	sne.s32 s2, $0x0  }
0x3e: {  	s3 =	rddreg [dreg:$0x2];
	[bflag:$0x3] =	sbarrier.arrive $0xFFFF;
	s2 =	simm.s32 @!p0 $0x1C01  }
0x3f: {  	[timem:s3], [sflag:s2] =	dma.local @!p0 [hbm:s0], s1  }
0x40: {  	s0 =	simm.s32 @!p0 $0x1  }
0x41: {  	_ =	swait.ge @!p0 [sflag:s0], s1  }
0x42: {  	s1 =	ssub.s32 @!p0 $0x0, s1;
	[sflag:s0] =	ssyncset.done @!p0 $0x0  }
0x43: {  	[sflag:s0] =	ssyncadd.s32 @!p0 s1  }
0x44: {  	[bflag:$0x3] =	sbarrier.arrive $0xFFFF  }
0x45: {  	_ =	shalt  }

</sc_bundles>
